<compile_context>
chip_gen: v7x
topology: tpu7x:2x2x1
jax: 0.10.2.dev20260603
libtpu: 0.0.44.dev20260713+nightly
codegen_flags: <defaults>
</compile_context>

<pallas_src>
import jax
import jax.numpy as jnp
from jax import lax
from jax.experimental import pallas as pl
from jax.experimental.pallas import tpu as pltpu
from jax.experimental.pallas import tpu_sc as plsc

VOCAB = 1000000
EMB = 32
BATCH = 4096
SEQ = 200

TOTAL = BATCH * SEQ
NUM_WORKERS = 32
PER_WORKER = TOTAL // NUM_WORKERS
STREAM = 128
K = 10
CHUNK = STREAM * K
NUM_CHUNKS = PER_WORKER // CHUNK
LANES = 16


def _emb_body(x_hbm, table_hbm, out_hbm, mask_hbm,
              idx0, idx1, rows0, rows1, mask0, mask1, sem0, sem1):
    idx = (idx0, idx1)
    rows = (rows0, rows1)
    maskv = (mask0, mask1)
    sems = (sem0, sem1)
    wid = lax.axis_index("s") * 2 + lax.axis_index("c")
    wbase = wid * PER_WORKER

    def stage_fire(g, b):
        base = wbase + g * CHUNK
        pltpu.sync_copy(x_hbm.at[pl.ds(base, CHUNK)], idx[b])
        for j in range(K):
            pltpu.async_copy(
                table_hbm.at[idx[b].at[pl.ds(j * STREAM, STREAM)]],
                rows[b].at[pl.ds(j * STREAM, STREAM)],
                sems[b],
            )

    def drain_write(g, b):
        base = wbase + g * CHUNK

        def mask_body(i, c):
            v = idx[b][pl.ds(i * LANES, LANES)]
            maskv[b][pl.ds(i * LANES, LANES)] = jnp.where(
                v != 0, jnp.full((LANES,), 1.0, jnp.float32),
                jnp.full((LANES,), 0.0, jnp.float32))
            return c

        lax.fori_loop(0, CHUNK // LANES, mask_body, 0)
        pltpu.make_async_copy(
            table_hbm.at[pl.ds(0, CHUNK)], rows[b], sems[b]).wait()
        pltpu.sync_copy(rows[b], out_hbm.at[pl.ds(base, CHUNK)])
        pltpu.sync_copy(maskv[b], mask_hbm.at[pl.ds(base, CHUNK)])

    stage_fire(0, 0)

    @pl.loop(0, NUM_CHUNKS - 2, step=2)
    def _(t):
        stage_fire(t + 1, 1)
        drain_write(t, 0)
        stage_fire(t + 2, 0)
        drain_write(t + 1, 1)

    stage_fire(NUM_CHUNKS - 1, 1)
    drain_write(NUM_CHUNKS - 2, 0)
    drain_write(NUM_CHUNKS - 1, 1)


def _emb_pallas(xf, table):
    mesh = plsc.VectorSubcoreMesh(core_axis_name="c", subcore_axis_name="s")
    fn = pl.kernel(
        _emb_body,
        out_type=[
            jax.ShapeDtypeStruct((TOTAL, EMB), jnp.float32),
            jax.ShapeDtypeStruct((TOTAL,), jnp.float32),
        ],
        mesh=mesh,
        scratch_types=[
            pltpu.VMEM((CHUNK,), jnp.int32),
            pltpu.VMEM((CHUNK,), jnp.int32),
            pltpu.VMEM((CHUNK, EMB), jnp.float32),
            pltpu.VMEM((CHUNK, EMB), jnp.float32),
            pltpu.VMEM((CHUNK,), jnp.float32),
            pltpu.VMEM((CHUNK,), jnp.float32),
            pltpu.SemaphoreType.DMA,
            pltpu.SemaphoreType.DMA,
        ],
        compiler_params=pltpu.CompilerParams(use_tc_tiling_on_sc=False),
    )
    return fn(xf, table)


@jax.jit
def _impl(x, table):
    xf = x.T.reshape(TOTAL).astype(jnp.int32)
    emb_flat, mask_flat = _emb_pallas(xf, table)
    emb = emb_flat.reshape(SEQ, BATCH, EMB).transpose(1, 0, 2)
    mask = mask_flat.reshape(SEQ, BATCH).T
    return (emb, mask)


def kernel(x, table):
    return _impl(x, table)

# --- scband reference (transcript-rebuilt; emitter-appended) ---
"""Pipeline reference for scband-embedding-65008624992411 (READ-ONLY COPY).

The authoritative reference and input builder live on the scoring server;
editing this copy changes nothing except your own understanding.
"""

import jax, jax.numpy as jnp
import numpy as np

VOCAB = 1000000
EMB = 32
BATCH = 4096
SEQ = 200

def setup_inputs(seed: int = 0) -> dict:
    key = jax.random.key(seed)
    k1, k2 = jax.random.split(key)
    x = jax.random.randint(k1, (BATCH, SEQ), 0, VOCAB)
    table = jax.random.normal(k2, (VOCAB, EMB), dtype=jnp.float32)
    # padding_idx=0: torch.nn.Embedding zero-initializes the padding row
    table = table.at[0].set(0.0)
    return {"x": x, "table": table}

def reference(x, table):
    # embedding lookup (gather)
    embeddings = jnp.take(table, x, axis=0)
    # mask: nonzero token positions
    mask = (x != 0).astype(jnp.float32)
    return (embeddings, mask)

if __name__ == "__main__":
    import jax
    _d = setup_inputs()
    print(jax.jit(kernel)(*tuple(_d.values())))

</pallas_src>

<mosaic_0001>
#map = affine_map<(d0, d1) -> (0)>
#map1 = affine_map<(d0, d1) -> (0, 0)>
module attributes {stable_mosaic.version = 14 : i64} {
  func.func @_emb_body(%arg0: i32, %arg1: i32, %arg2: memref<819200xi32, #tpu.memory_space<hbm>>, %arg3: memref<1000000x32xf32, #tpu.memory_space<hbm>>, %arg4: memref<819200x32xf32, #tpu.memory_space<hbm>>, %arg5: memref<819200xf32, #tpu.memory_space<hbm>>, %arg6: memref<1280xi32, #tpu.memory_space<vmem>>, %arg7: memref<1280xi32, #tpu.memory_space<vmem>>, %arg8: memref<1280x32xf32, #tpu.memory_space<vmem>>, %arg9: memref<1280x32xf32, #tpu.memory_space<vmem>>, %arg10: memref<1280xf32, #tpu.memory_space<vmem>>, %arg11: memref<1280xf32, #tpu.memory_space<vmem>>, %arg12: memref<!tpu.dma_semaphore, #tpu.memory_space<semaphore_mem>>, %arg13: memref<!tpu.dma_semaphore, #tpu.memory_space<semaphore_mem>>) attributes {dimension_semantics = [#tpu.dimension_semantics<core_parallel>, #tpu.dimension_semantics<subcore_parallel>], iteration_bounds = array<i64: 2, 16>, scalar_prefetch = 0 : i64, scratch_operands = 8 : i64, tpu.core_type = #tpu.core_type<sc_vector_subcore>, window_params = [{transform_indices = #map}, {transform_indices = #map1}, {transform_indices = #map1}, {transform_indices = #map}]} {
    %mul3A = arith.constant 2 : i32
    %mul3A_0 = arith.muli %arg1, %mul3A : i32
    %add3A = arith.addi %mul3A_0, %arg0 : i32
    %mul3A_1 = arith.constant 25600 : i32
    %mul3A_2 = arith.muli %add3A, %mul3A_1 : i32
    %add3A_3 = arith.constant 0 : i32
    %add3A_4 = arith.addi %mul3A_2, %add3A_3 : i32
    "tpu.region"() ({
      %run_scoped3A = tpu.sem_alloc : memref<!tpu.dma_semaphore, #tpu.memory_space<semaphore_mem>>
      %dma_start3A_197 = tpu.memref_slice %arg2[%add3A_4] : memref<819200xi32, #tpu.memory_space<hbm>> -> memref<1280xi32, #tpu.memory_space<hbm>>
      %dma_start3A_198 = tpu.memref_slice %arg2[%add3A_4] : memref<819200xi32, #tpu.memory_space<hbm>> -> memref<1280xi32, #tpu.memory_space<hbm>>
      tpu.enqueue_dma source(%dma_start3A_198 : memref<1280xi32, #tpu.memory_space<hbm>>) target(%arg6 : memref<1280xi32, #tpu.memory_space<vmem>>) target_semaphore(%run_scoped3A : memref<!tpu.dma_semaphore, #tpu.memory_space<semaphore_mem>>)
      %dma_wait3A_199 = tpu.memref_slice %arg2[%add3A_4] : memref<819200xi32, #tpu.memory_space<hbm>> -> memref<1280xi32, #tpu.memory_space<hbm>>
      %dma_wait3A_200 = tpu.memref_slice %arg2[%add3A_4] : memref<819200xi32, #tpu.memory_space<hbm>> -> memref<1280xi32, #tpu.memory_space<hbm>>
      tpu.wait_dma2 semaphore(%run_scoped3A : memref<!tpu.dma_semaphore, #tpu.memory_space<semaphore_mem>>) src(%dma_wait3A_200 : memref<1280xi32, #tpu.memory_space<hbm>>) dst(%arg6 : memref<1280xi32, #tpu.memory_space<vmem>>)
      tpu.yield
    }) : () -> ()
    %dma_start3A = arith.constant 0 : i32
    %dma_start3A_5 = arith.constant 0 : i32
    %dma_start3A_6 = tpu.memref_slice %arg8[%dma_start3A, %dma_start3A_5] : memref<1280x32xf32, #tpu.memory_space<vmem>> -> memref<128x32xf32, #tpu.memory_space<vmem>>
    %dma_start3A_7 = arith.constant 0 : i32
    %dma_start3A_8 = tpu.memref_slice %arg6[%dma_start3A_7] : memref<1280xi32, #tpu.memory_space<vmem>> -> memref<128xi32, #tpu.memory_space<vmem>>
    %dma_start3A_9 = arith.constant 0 : i32
    %dma_start3A_10 = arith.constant 0 : i32
    %dma_start3A_11 = tpu.memref_slice %arg3[%dma_start3A_9, %dma_start3A_10] : memref<1000000x32xf32, #tpu.memory_space<hbm>> -> memref<1000000x32xf32, #tpu.memory_space<hbm>>
    tpu.enqueue_indirect_dma source(%dma_start3A_11 : memref<1000000x32xf32, #tpu.memory_space<hbm>>) target(%dma_start3A_6 : memref<128x32xf32, #tpu.memory_space<vmem>>) offsets(%dma_start3A_8 : memref<128xi32, #tpu.memory_space<vmem>>) semaphore(%arg12 : memref<!tpu.dma_semaphore, #tpu.memory_space<semaphore_mem>>)
    %dma_start3A_12 = arith.constant 128 : i32
    %dma_start3A_13 = arith.constant 0 : i32
    %dma_start3A_14 = tpu.memref_slice %arg8[%dma_start3A_12, %dma_start3A_13] : memref<1280x32xf32, #tpu.memory_space<vmem>> -> memref<128x32xf32, #tpu.memory_space<vmem>>
    %dma_start3A_15 = arith.constant 128 : i32
    %dma_start3A_16 = tpu.memref_slice %arg6[%dma_start3A_15] : memref<1280xi32, #tpu.memory_space<vmem>> -> memref<128xi32, #tpu.memory_space<vmem>>
    %dma_start3A_17 = arith.constant 0 : i32
    %dma_start3A_18 = arith.constant 0 : i32
    %dma_start3A_19 = tpu.memref_slice %arg3[%dma_start3A_17, %dma_start3A_18] : memref<1000000x32xf32, #tpu.memory_space<hbm>> -> memref<1000000x32xf32, #tpu.memory_space<hbm>>
    tpu.enqueue_indirect_dma source(%dma_start3A_19 : memref<1000000x32xf32, #tpu.memory_space<hbm>>) target(%dma_start3A_14 : memref<128x32xf32, #tpu.memory_space<vmem>>) offsets(%dma_start3A_16 : memref<128xi32, #tpu.memory_space<vmem>>) semaphore(%arg12 : memref<!tpu.dma_semaphore, #tpu.memory_space<semaphore_mem>>)
    %dma_start3A_20 = arith.constant 256 : i32
    %dma_start3A_21 = arith.constant 0 : i32
    %dma_start3A_22 = tpu.memref_slice %arg8[%dma_start3A_20, %dma_start3A_21] : memref<1280x32xf32, #tpu.memory_space<vmem>> -> memref<128x32xf32, #tpu.memory_space<vmem>>
    %dma_start3A_23 = arith.constant 256 : i32
    %dma_start3A_24 = tpu.memref_slice %arg6[%dma_start3A_23] : memref<1280xi32, #tpu.memory_space<vmem>> -> memref<128xi32, #tpu.memory_space<vmem>>
    %dma_start3A_25 = arith.constant 0 : i32
    %dma_start3A_26 = arith.constant 0 : i32
    %dma_start3A_27 = tpu.memref_slice %arg3[%dma_start3A_25, %dma_start3A_26] : memref<1000000x32xf32, #tpu.memory_space<hbm>> -> memref<1000000x32xf32, #tpu.memory_space<hbm>>
    tpu.enqueue_indirect_dma source(%dma_start3A_27 : memref<1000000x32xf32, #tpu.memory_space<hbm>>) target(%dma_start3A_22 : memref<128x32xf32, #tpu.memory_space<vmem>>) offsets(%dma_start3A_24 : memref<128xi32, #tpu.memory_space<vmem>>) semaphore(%arg12 : memref<!tpu.dma_semaphore, #tpu.memory_space<semaphore_mem>>)
    %dma_start3A_28 = arith.constant 384 : i32
    %dma_start3A_29 = arith.constant 0 : i32
    %dma_start3A_30 = tpu.memref_slice %arg8[%dma_start3A_28, %dma_start3A_29] : memref<1280x32xf32, #tpu.memory_space<vmem>> -> memref<128x32xf32, #tpu.memory_space<vmem>>
    %dma_start3A_31 = arith.constant 384 : i32
    %dma_start3A_32 = tpu.memref_slice %arg6[%dma_start3A_31] : memref<1280xi32, #tpu.memory_space<vmem>> -> memref<128xi32, #tpu.memory_space<vmem>>
    %dma_start3A_33 = arith.constant 0 : i32
    %dma_start3A_34 = arith.constant 0 : i32
    %dma_start3A_35 = tpu.memref_slice %arg3[%dma_start3A_33, %dma_start3A_34] : memref<1000000x32xf32, #tpu.memory_space<hbm>> -> memref<1000000x32xf32, #tpu.memory_space<hbm>>
    tpu.enqueue_indirect_dma source(%dma_start3A_35 : memref<1000000x32xf32, #tpu.memory_space<hbm>>) target(%dma_start3A_30 : memref<128x32xf32, #tpu.memory_space<vmem>>) offsets(%dma_start3A_32 : memref<128xi32, #tpu.memory_space<vmem>>) semaphore(%arg12 : memref<!tpu.dma_semaphore, #tpu.memory_space<semaphore_mem>>)
    %dma_start3A_36 = arith.constant 512 : i32
    %dma_start3A_37 = arith.constant 0 : i32
    %dma_start3A_38 = tpu.memref_slice %arg8[%dma_start3A_36, %dma_start3A_37] : memref<1280x32xf32, #tpu.memory_space<vmem>> -> memref<128x32xf32, #tpu.memory_space<vmem>>
    %dma_start3A_39 = arith.constant 512 : i32
    %dma_start3A_40 = tpu.memref_slice %arg6[%dma_start3A_39] : memref<1280xi32, #tpu.memory_space<vmem>> -> memref<128xi32, #tpu.memory_space<vmem>>
    %dma_start3A_41 = arith.constant 0 : i32
    %dma_start3A_42 = arith.constant 0 : i32
    %dma_start3A_43 = tpu.memref_slice %arg3[%dma_start3A_41, %dma_start3A_42] : memref<1000000x32xf32, #tpu.memory_space<hbm>> -> memref<1000000x32xf32, #tpu.memory_space<hbm>>
    tpu.enqueue_indirect_dma source(%dma_start3A_43 : memref<1000000x32xf32, #tpu.memory_space<hbm>>) target(%dma_start3A_38 : memref<128x32xf32, #tpu.memory_space<vmem>>) offsets(%dma_start3A_40 : memref<128xi32, #tpu.memory_space<vmem>>) semaphore(%arg12 : memref<!tpu.dma_semaphore, #tpu.memory_space<semaphore_mem>>)
    %dma_start3A_44 = arith.constant 640 : i32
    %dma_start3A_45 = arith.constant 0 : i32
    %dma_start3A_46 = tpu.memref_slice %arg8[%dma_start3A_44, %dma_start3A_45] : memref<1280x32xf32, #tpu.memory_space<vmem>> -> memref<128x32xf32, #tpu.memory_space<vmem>>
    %dma_start3A_47 = arith.constant 640 : i32
    %dma_start3A_48 = tpu.memref_slice %arg6[%dma_start3A_47] : memref<1280xi32, #tpu.memory_space<vmem>> -> memref<128xi32, #tpu.memory_space<vmem>>
    %dma_start3A_49 = arith.constant 0 : i32
    %dma_start3A_50 = arith.constant 0 : i32
    %dma_start3A_51 = tpu.memref_slice %arg3[%dma_start3A_49, %dma_start3A_50] : memref<1000000x32xf32, #tpu.memory_space<hbm>> -> memref<1000000x32xf32, #tpu.memory_space<hbm>>
    tpu.enqueue_indirect_dma source(%dma_start3A_51 : memref<1000000x32xf32, #tpu.memory_space<hbm>>) target(%dma_start3A_46 : memref<128x32xf32, #tpu.memory_space<vmem>>) offsets(%dma_start3A_48 : memref<128xi32, #tpu.memory_space<vmem>>) semaphore(%arg12 : memref<!tpu.dma_semaphore, #tpu.memory_space<semaphore_mem>>)
    %dma_start3A_52 = arith.constant 768 : i32
    %dma_start3A_53 = arith.constant 0 : i32
    %dma_start3A_54 = tpu.memref_slice %arg8[%dma_start3A_52, %dma_start3A_53] : memref<1280x32xf32, #tpu.memory_space<vmem>> -> memref<128x32xf32, #tpu.memory_space<vmem>>
    %dma_start3A_55 = arith.constant 768 : i32
    %dma_start3A_56 = tpu.memref_slice %arg6[%dma_start3A_55] : memref<1280xi32, #tpu.memory_space<vmem>> -> memref<128xi32, #tpu.memory_space<vmem>>
    %dma_start3A_57 = arith.constant 0 : i32
    %dma_start3A_58 = arith.constant 0 : i32
    %dma_start3A_59 = tpu.memref_slice %arg3[%dma_start3A_57, %dma_start3A_58] : memref<1000000x32xf32, #tpu.memory_space<hbm>> -> memref<1000000x32xf32, #tpu.memory_space<hbm>>
    tpu.enqueue_indirect_dma source(%dma_start3A_59 : memref<1000000x32xf32, #tpu.memory_space<hbm>>) target(%dma_start3A_54 : memref<128x32xf32, #tpu.memory_space<vmem>>) offsets(%dma_start3A_56 : memref<128xi32, #tpu.memory_space<vmem>>) semaphore(%arg12 : memref<!tpu.dma_semaphore, #tpu.memory_space<semaphore_mem>>)
    %dma_start3A_60 = arith.constant 896 : i32
    %dma_start3A_61 = arith.constant 0 : i32
    %dma_start3A_62 = tpu.memref_slice %arg8[%dma_start3A_60, %dma_start3A_61] : memref<1280x32xf32, #tpu.memory_space<vmem>> -> memref<128x32xf32, #tpu.memory_space<vmem>>
    %dma_start3A_63 = arith.constant 896 : i32
    %dma_start3A_64 = tpu.memref_slice %arg6[%dma_start3A_63] : memref<1280xi32, #tpu.memory_space<vmem>> -> memref<128xi32, #tpu.memory_space<vmem>>
    %dma_start3A_65 = arith.constant 0 : i32
    %dma_start3A_66 = arith.constant 0 : i32
    %dma_start3A_67 = tpu.memref_slice %arg3[%dma_start3A_65, %dma_start3A_66] : memref<1000000x32xf32, #tpu.memory_space<hbm>> -> memref<1000000x32xf32, #tpu.memory_space<hbm>>
    tpu.enqueue_indirect_dma source(%dma_start3A_67 : memref<1000000x32xf32, #tpu.memory_space<hbm>>) target(%dma_start3A_62 : memref<128x32xf32, #tpu.memory_space<vmem>>) offsets(%dma_start3A_64 : memref<128xi32, #tpu.memory_space<vmem>>) semaphore(%arg12 : memref<!tpu.dma_semaphore, #tpu.memory_space<semaphore_mem>>)
    %dma_start3A_68 = arith.constant 1024 : i32
    %dma_start3A_69 = arith.constant 0 : i32
    %dma_start3A_70 = tpu.memref_slice %arg8[%dma_start3A_68, %dma_start3A_69] : memref<1280x32xf32, #tpu.memory_space<vmem>> -> memref<128x32xf32, #tpu.memory_space<vmem>>
    %dma_start3A_71 = arith.constant 1024 : i32
    %dma_start3A_72 = tpu.memref_slice %arg6[%dma_start3A_71] : memref<1280xi32, #tpu.memory_space<vmem>> -> memref<128xi32, #tpu.memory_space<vmem>>
    %dma_start3A_73 = arith.constant 0 : i32
    %dma_start3A_74 = arith.constant 0 : i32
    %dma_start3A_75 = tpu.memref_slice %arg3[%dma_start3A_73, %dma_start3A_74] : memref<1000000x32xf32, #tpu.memory_space<hbm>> -> memref<1000000x32xf32, #tpu.memory_space<hbm>>
    tpu.enqueue_indirect_dma source(%dma_start3A_75 : memref<1000000x32xf32, #tpu.memory_space<hbm>>) target(%dma_start3A_70 : memref<128x32xf32, #tpu.memory_space<vmem>>) offsets(%dma_start3A_72 : memref<128xi32, #tpu.memory_space<vmem>>) semaphore(%arg12 : memref<!tpu.dma_semaphore, #tpu.memory_space<semaphore_mem>>)
    %dma_start3A_76 = arith.constant 1152 : i32
    %dma_start3A_77 = arith.constant 0 : i32
    %dma_start3A_78 = tpu.memref_slice %arg8[%dma_start3A_76, %dma_start3A_77] : memref<1280x32xf32, #tpu.memory_space<vmem>> -> memref<128x32xf32, #tpu.memory_space<vmem>>
    %dma_start3A_79 = arith.constant 1152 : i32
    %dma_start3A_80 = tpu.memref_slice %arg6[%dma_start3A_79] : memref<1280xi32, #tpu.memory_space<vmem>> -> memref<128xi32, #tpu.memory_space<vmem>>
    %dma_start3A_81 = arith.constant 0 : i32
    %dma_start3A_82 = arith.constant 0 : i32
    %dma_start3A_83 = tpu.memref_slice %arg3[%dma_start3A_81, %dma_start3A_82] : memref<1000000x32xf32, #tpu.memory_space<hbm>> -> memref<1000000x32xf32, #tpu.memory_space<hbm>>
    tpu.enqueue_indirect_dma source(%dma_start3A_83 : memref<1000000x32xf32, #tpu.memory_space<hbm>>) target(%dma_start3A_78 : memref<128x32xf32, #tpu.memory_space<vmem>>) offsets(%dma_start3A_80 : memref<128xi32, #tpu.memory_space<vmem>>) semaphore(%arg12 : memref<!tpu.dma_semaphore, #tpu.memory_space<semaphore_mem>>)
    %scan3A = arith.constant 0 : i32
    %scan3A_84 = arith.constant 9 : i32
    %scan3A_85 = arith.addi %scan3A, %scan3A_84 : i32
    %scan3A_86 = arith.constant 1 : i32
    scf.for %scan3A_197 = %scan3A to %scan3A_85 step %scan3A_86  : i32 {
      %mul3A_198 = arith.constant 2 : i32
      %mul3A_199 = arith.muli %scan3A_197, %mul3A_198 : i32
      %add3A_200 = arith.constant 0 : i32
      %add3A_201 = arith.addi %add3A_200, %mul3A_199 : i32
      %add3A_202 = arith.constant 1 : i32
      %add3A_203 = arith.addi %add3A_201, %add3A_202 : i32
      %mul3A_204 = arith.constant 1280 : i32
      %mul3A_205 = arith.muli %add3A_203, %mul3A_204 : i32
      %add3A_206 = arith.addi %mul3A_2, %mul3A_205 : i32
      "tpu.region"() ({
        %run_scoped3A = tpu.sem_alloc : memref<!tpu.dma_semaphore, #tpu.memory_space<semaphore_mem>>
        %dma_start3A_404 = tpu.memref_slice %arg2[%add3A_206] : memref<819200xi32, #tpu.memory_space<hbm>> -> memref<1280xi32, #tpu.memory_space<hbm>>
        %dma_start3A_405 = tpu.memref_slice %arg2[%add3A_206] : memref<819200xi32, #tpu.memory_space<hbm>> -> memref<1280xi32, #tpu.memory_space<hbm>>
        tpu.enqueue_dma source(%dma_start3A_405 : memref<1280xi32, #tpu.memory_space<hbm>>) target(%arg7 : memref<1280xi32, #tpu.memory_space<vmem>>) target_semaphore(%run_scoped3A : memref<!tpu.dma_semaphore, #tpu.memory_space<semaphore_mem>>)
        %dma_wait3A_406 = tpu.memref_slice %arg2[%add3A_206] : memref<819200xi32, #tpu.memory_space<hbm>> -> memref<1280xi32, #tpu.memory_space<hbm>>
        %dma_wait3A_407 = tpu.memref_slice %arg2[%add3A_206] : memref<819200xi32, #tpu.memory_space<hbm>> -> memref<1280xi32, #tpu.memory_space<hbm>>
        tpu.wait_dma2 semaphore(%run_scoped3A : memref<!tpu.dma_semaphore, #tpu.memory_space<semaphore_mem>>) src(%dma_wait3A_407 : memref<1280xi32, #tpu.memory_space<hbm>>) dst(%arg7 : memref<1280xi32, #tpu.memory_space<vmem>>)
        tpu.yield
      }) : () -> ()
      %dma_start3A_207 = arith.constant 0 : i32
      %dma_start3A_208 = arith.constant 0 : i32
      %dma_start3A_209 = tpu.memref_slice %arg9[%dma_start3A_207, %dma_start3A_208] : memref<1280x32xf32, #tpu.memory_space<vmem>> -> memref<128x32xf32, #tpu.memory_space<vmem>>
      %dma_start3A_210 = arith.constant 0 : i32
      %dma_start3A_211 = tpu.memref_slice %arg7[%dma_start3A_210] : memref<1280xi32, #tpu.memory_space<vmem>> -> memref<128xi32, #tpu.memory_space<vmem>>
      %dma_start3A_212 = arith.constant 0 : i32
      %dma_start3A_213 = arith.constant 0 : i32
      %dma_start3A_214 = tpu.memref_slice %arg3[%dma_start3A_212, %dma_start3A_213] : memref<1000000x32xf32, #tpu.memory_space<hbm>> -> memref<1000000x32xf32, #tpu.memory_space<hbm>>
      tpu.enqueue_indirect_dma source(%dma_start3A_214 : memref<1000000x32xf32, #tpu.memory_space<hbm>>) target(%dma_start3A_209 : memref<128x32xf32, #tpu.memory_space<vmem>>) offsets(%dma_start3A_211 : memref<128xi32, #tpu.memory_space<vmem>>) semaphore(%arg13 : memref<!tpu.dma_semaphore, #tpu.memory_space<semaphore_mem>>)
      %dma_start3A_215 = arith.constant 128 : i32
      %dma_start3A_216 = arith.constant 0 : i32
      %dma_start3A_217 = tpu.memref_slice %arg9[%dma_start3A_215, %dma_start3A_216] : memref<1280x32xf32, #tpu.memory_space<vmem>> -> memref<128x32xf32, #tpu.memory_space<vmem>>
      %dma_start3A_218 = arith.constant 128 : i32
      %dma_start3A_219 = tpu.memref_slice %arg7[%dma_start3A_218] : memref<1280xi32, #tpu.memory_space<vmem>> -> memref<128xi32, #tpu.memory_space<vmem>>
      %dma_start3A_220 = arith.constant 0 : i32
      %dma_start3A_221 = arith.constant 0 : i32
      %dma_start3A_222 = tpu.memref_slice %arg3[%dma_start3A_220, %dma_start3A_221] : memref<1000000x32xf32, #tpu.memory_space<hbm>> -> memref<1000000x32xf32, #tpu.memory_space<hbm>>
      tpu.enqueue_indirect_dma source(%dma_start3A_222 : memref<1000000x32xf32, #tpu.memory_space<hbm>>) target(%dma_start3A_217 : memref<128x32xf32, #tpu.memory_space<vmem>>) offsets(%dma_start3A_219 : memref<128xi32, #tpu.memory_space<vmem>>) semaphore(%arg13 : memref<!tpu.dma_semaphore, #tpu.memory_space<semaphore_mem>>)
      %dma_start3A_223 = arith.constant 256 : i32
      %dma_start3A_224 = arith.constant 0 : i32
      %dma_start3A_225 = tpu.memref_slice %arg9[%dma_start3A_223, %dma_start3A_224] : memref<1280x32xf32, #tpu.memory_space<vmem>> -> memref<128x32xf32, #tpu.memory_space<vmem>>
      %dma_start3A_226 = arith.constant 256 : i32
      %dma_start3A_227 = tpu.memref_slice %arg7[%dma_start3A_226] : memref<1280xi32, #tpu.memory_space<vmem>> -> memref<128xi32, #tpu.memory_space<vmem>>
      %dma_start3A_228 = arith.constant 0 : i32
      %dma_start3A_229 = arith.constant 0 : i32
      %dma_start3A_230 = tpu.memref_slice %arg3[%dma_start3A_228, %dma_start3A_229] : memref<1000000x32xf32, #tpu.memory_space<hbm>> -> memref<1000000x32xf32, #tpu.memory_space<hbm>>
      tpu.enqueue_indirect_dma source(%dma_start3A_230 : memref<1000000x32xf32, #tpu.memory_space<hbm>>) target(%dma_start3A_225 : memref<128x32xf32, #tpu.memory_space<vmem>>) offsets(%dma_start3A_227 : memref<128xi32, #tpu.memory_space<vmem>>) semaphore(%arg13 : memref<!tpu.dma_semaphore, #tpu.memory_space<semaphore_mem>>)
      %dma_start3A_231 = arith.constant 384 : i32
      %dma_start3A_232 = arith.constant 0 : i32
      %dma_start3A_233 = tpu.memref_slice %arg9[%dma_start3A_231, %dma_start3A_232] : memref<1280x32xf32, #tpu.memory_space<vmem>> -> memref<128x32xf32, #tpu.memory_space<vmem>>
      %dma_start3A_234 = arith.constant 384 : i32
      %dma_start3A_235 = tpu.memref_slice %arg7[%dma_start3A_234] : memref<1280xi32, #tpu.memory_space<vmem>> -> memref<128xi32, #tpu.memory_space<vmem>>
      %dma_start3A_236 = arith.constant 0 : i32
      %dma_start3A_237 = arith.constant 0 : i32
      %dma_start3A_238 = tpu.memref_slice %arg3[%dma_start3A_236, %dma_start3A_237] : memref<1000000x32xf32, #tpu.memory_space<hbm>> -> memref<1000000x32xf32, #tpu.memory_space<hbm>>
      tpu.enqueue_indirect_dma source(%dma_start3A_238 : memref<1000000x32xf32, #tpu.memory_space<hbm>>) target(%dma_start3A_233 : memref<128x32xf32, #tpu.memory_space<vmem>>) offsets(%dma_start3A_235 : memref<128xi32, #tpu.memory_space<vmem>>) semaphore(%arg13 : memref<!tpu.dma_semaphore, #tpu.memory_space<semaphore_mem>>)
      %dma_start3A_239 = arith.constant 512 : i32
      %dma_start3A_240 = arith.constant 0 : i32
      %dma_start3A_241 = tpu.memref_slice %arg9[%dma_start3A_239, %dma_start3A_240] : memref<1280x32xf32, #tpu.memory_space<vmem>> -> memref<128x32xf32, #tpu.memory_space<vmem>>
      %dma_start3A_242 = arith.constant 512 : i32
      %dma_start3A_243 = tpu.memref_slice %arg7[%dma_start3A_242] : memref<1280xi32, #tpu.memory_space<vmem>> -> memref<128xi32, #tpu.memory_space<vmem>>
      %dma_start3A_244 = arith.constant 0 : i32
      %dma_start3A_245 = arith.constant 0 : i32
      %dma_start3A_246 = tpu.memref_slice %arg3[%dma_start3A_244, %dma_start3A_245] : memref<1000000x32xf32, #tpu.memory_space<hbm>> -> memref<1000000x32xf32, #tpu.memory_space<hbm>>
      tpu.enqueue_indirect_dma source(%dma_start3A_246 : memref<1000000x32xf32, #tpu.memory_space<hbm>>) target(%dma_start3A_241 : memref<128x32xf32, #tpu.memory_space<vmem>>) offsets(%dma_start3A_243 : memref<128xi32, #tpu.memory_space<vmem>>) semaphore(%arg13 : memref<!tpu.dma_semaphore, #tpu.memory_space<semaphore_mem>>)
      %dma_start3A_247 = arith.constant 640 : i32
      %dma_start3A_248 = arith.constant 0 : i32
      %dma_start3A_249 = tpu.memref_slice %arg9[%dma_start3A_247, %dma_start3A_248] : memref<1280x32xf32, #tpu.memory_space<vmem>> -> memref<128x32xf32, #tpu.memory_space<vmem>>
      %dma_start3A_250 = arith.constant 640 : i32
      %dma_start3A_251 = tpu.memref_slice %arg7[%dma_start3A_250] : memref<1280xi32, #tpu.memory_space<vmem>> -> memref<128xi32, #tpu.memory_space<vmem>>
      %dma_start3A_252 = arith.constant 0 : i32
      %dma_start3A_253 = arith.constant 0 : i32
      %dma_start3A_254 = tpu.memref_slice %arg3[%dma_start3A_252, %dma_start3A_253] : memref<1000000x32xf32, #tpu.memory_space<hbm>> -> memref<1000000x32xf32, #tpu.memory_space<hbm>>
      tpu.enqueue_indirect_dma source(%dma_start3A_254 : memref<1000000x32xf32, #tpu.memory_space<hbm>>) target(%dma_start3A_249 : memref<128x32xf32, #tpu.memory_space<vmem>>) offsets(%dma_start3A_251 : memref<128xi32, #tpu.memory_space<vmem>>) semaphore(%arg13 : memref<!tpu.dma_semaphore, #tpu.memory_space<semaphore_mem>>)
      %dma_start3A_255 = arith.constant 768 : i32
      %dma_start3A_256 = arith.constant 0 : i32
      %dma_start3A_257 = tpu.memref_slice %arg9[%dma_start3A_255, %dma_start3A_256] : memref<1280x32xf32, #tpu.memory_space<vmem>> -> memref<128x32xf32, #tpu.memory_space<vmem>>
      %dma_start3A_258 = arith.constant 768 : i32
      %dma_start3A_259 = tpu.memref_slice %arg7[%dma_start3A_258] : memref<1280xi32, #tpu.memory_space<vmem>> -> memref<128xi32, #tpu.memory_space<vmem>>
      %dma_start3A_260 = arith.constant 0 : i32
      %dma_start3A_261 = arith.constant 0 : i32
      %dma_start3A_262 = tpu.memref_slice %arg3[%dma_start3A_260, %dma_start3A_261] : memref<1000000x32xf32, #tpu.memory_space<hbm>> -> memref<1000000x32xf32, #tpu.memory_space<hbm>>
      tpu.enqueue_indirect_dma source(%dma_start3A_262 : memref<1000000x32xf32, #tpu.memory_space<hbm>>) target(%dma_start3A_257 : memref<128x32xf32, #tpu.memory_space<vmem>>) offsets(%dma_start3A_259 : memref<128xi32, #tpu.memory_space<vmem>>) semaphore(%arg13 : memref<!tpu.dma_semaphore, #tpu.memory_space<semaphore_mem>>)
      %dma_start3A_263 = arith.constant 896 : i32
      %dma_start3A_264 = arith.constant 0 : i32
      %dma_start3A_265 = tpu.memref_slice %arg9[%dma_start3A_263, %dma_start3A_264] : memref<1280x32xf32, #tpu.memory_space<vmem>> -> memref<128x32xf32, #tpu.memory_space<vmem>>
      %dma_start3A_266 = arith.constant 896 : i32
      %dma_start3A_267 = tpu.memref_slice %arg7[%dma_start3A_266] : memref<1280xi32, #tpu.memory_space<vmem>> -> memref<128xi32, #tpu.memory_space<vmem>>
      %dma_start3A_268 = arith.constant 0 : i32
      %dma_start3A_269 = arith.constant 0 : i32
      %dma_start3A_270 = tpu.memref_slice %arg3[%dma_start3A_268, %dma_start3A_269] : memref<1000000x32xf32, #tpu.memory_space<hbm>> -> memref<1000000x32xf32, #tpu.memory_space<hbm>>
      tpu.enqueue_indirect_dma source(%dma_start3A_270 : memref<1000000x32xf32, #tpu.memory_space<hbm>>) target(%dma_start3A_265 : memref<128x32xf32, #tpu.memory_space<vmem>>) offsets(%dma_start3A_267 : memref<128xi32, #tpu.memory_space<vmem>>) semaphore(%arg13 : memref<!tpu.dma_semaphore, #tpu.memory_space<semaphore_mem>>)
      %dma_start3A_271 = arith.constant 1024 : i32
      %dma_start3A_272 = arith.constant 0 : i32
      %dma_start3A_273 = tpu.memref_slice %arg9[%dma_start3A_271, %dma_start3A_272] : memref<1280x32xf32, #tpu.memory_space<vmem>> -> memref<128x32xf32, #tpu.memory_space<vmem>>
      %dma_start3A_274 = arith.constant 1024 : i32
      %dma_start3A_275 = tpu.memref_slice %arg7[%dma_start3A_274] : memref<1280xi32, #tpu.memory_space<vmem>> -> memref<128xi32, #tpu.memory_space<vmem>>
      %dma_start3A_276 = arith.constant 0 : i32
      %dma_start3A_277 = arith.constant 0 : i32
      %dma_start3A_278 = tpu.memref_slice %arg3[%dma_start3A_276, %dma_start3A_277] : memref<1000000x32xf32, #tpu.memory_space<hbm>> -> memref<1000000x32xf32, #tpu.memory_space<hbm>>
      tpu.enqueue_indirect_dma source(%dma_start3A_278 : memref<1000000x32xf32, #tpu.memory_space<hbm>>) target(%dma_start3A_273 : memref<128x32xf32, #tpu.memory_space<vmem>>) offsets(%dma_start3A_275 : memref<128xi32, #tpu.memory_space<vmem>>) semaphore(%arg13 : memref<!tpu.dma_semaphore, #tpu.memory_space<semaphore_mem>>)
      %dma_start3A_279 = arith.constant 1152 : i32
      %dma_start3A_280 = arith.constant 0 : i32
      %dma_start3A_281 = tpu.memref_slice %arg9[%dma_start3A_279, %dma_start3A_280] : memref<1280x32xf32, #tpu.memory_space<vmem>> -> memref<128x32xf32, #tpu.memory_space<vmem>>
      %dma_start3A_282 = arith.constant 1152 : i32
      %dma_start3A_283 = tpu.memref_slice %arg7[%dma_start3A_282] : memref<1280xi32, #tpu.memory_space<vmem>> -> memref<128xi32, #tpu.memory_space<vmem>>
      %dma_start3A_284 = arith.constant 0 : i32
      %dma_start3A_285 = arith.constant 0 : i32
      %dma_start3A_286 = tpu.memref_slice %arg3[%dma_start3A_284, %dma_start3A_285] : memref<1000000x32xf32, #tpu.memory_space<hbm>> -> memref<1000000x32xf32, #tpu.memory_space<hbm>>
      tpu.enqueue_indirect_dma source(%dma_start3A_286 : memref<1000000x32xf32, #tpu.memory_space<hbm>>) target(%dma_start3A_281 : memref<128x32xf32, #tpu.memory_space<vmem>>) offsets(%dma_start3A_283 : memref<128xi32, #tpu.memory_space<vmem>>) semaphore(%arg13 : memref<!tpu.dma_semaphore, #tpu.memory_space<semaphore_mem>>)
      %mul3A_287 = arith.constant 1280 : i32
      %mul3A_288 = arith.muli %add3A_201, %mul3A_287 : i32
      %add3A_289 = arith.addi %mul3A_2, %mul3A_288 : i32
      %scan3A_290 = arith.constant 0 : i32
      %scan3A_291 = arith.constant 0 : i32
      %scan3A_292 = arith.constant 80 : i32
      %scan3A_293 = arith.addi %scan3A_291, %scan3A_292 : i32
      %scan3A_294 = arith.constant 1 : i32
      scf.for %scan3A_404 = %scan3A_291 to %scan3A_293 step %scan3A_294  : i32 {
        %mul3A_405 = arith.constant 16 : i32
        %mul3A_406 = arith.muli %scan3A_404, %mul3A_405 : i32
        %get3A = arith.index_cast %mul3A_406 : i32 to index
        %get3A_407 = tpu.vector_load %arg6[%get3A] {strides = array<i32>} : memref<1280xi32, #tpu.memory_space<vmem>>, vector<16xi32>,
        %get3A_408 = vector.shape_cast %get3A_407 : vector<16xi32> to vector<16xi32>
        %ne3A = arith.constant 0 : i32
        %ne3A_409 = vector.broadcast %ne3A : i32 to vector<16xi32>
        %ne3A_410 = arith.cmpi ne, %get3A_408, %ne3A_409 : vector<16xi32>
        %broadcast_in_dim3A = arith.constant 1.000000e+00 : f32
        %broadcast_in_dim3A_411 = vector.broadcast %broadcast_in_dim3A : f32 to vector<16xf32>
        %broadcast_in_dim3A_412 = arith.constant 0.000000e+00 : f32
        %broadcast_in_dim3A_413 = vector.broadcast %broadcast_in_dim3A_412 : f32 to vector<16xf32>
        %select_n3A = arith.select %ne3A_410, %broadcast_in_dim3A_411, %broadcast_in_dim3A_413 : vector<16xi1>, vector<16xf32>
        %mul3A_414 = arith.constant 16 : i32
        %mul3A_415 = arith.muli %scan3A_404, %mul3A_414 : i32
        %swap3A = arith.index_cast %mul3A_415 : i32 to index
        %swap3A_416 = tpu.vector_load %arg10[%swap3A] {strides = array<i32>} : memref<1280xf32, #tpu.memory_space<vmem>>, vector<16xf32>,
        %swap3A_417 = vector.shape_cast %swap3A_416 : vector<16xf32> to vector<16xf32>
        %swap3A_418 = vector.shape_cast %select_n3A : vector<16xf32> to vector<16xf32>
        tpu.vector_store %arg10[%swap3A], %swap3A_418 {strides = array<i32>} : memref<1280xf32, #tpu.memory_space<vmem>>, vector<16xf32>,
      }
      %scan3A_295 = arith.constant 80 : i32
      %dma_wait3A_296 = arith.constant 0 : i32
      %dma_wait3A_297 = arith.constant 0 : i32
      %dma_wait3A_298 = tpu.memref_slice %arg3[%dma_wait3A_296, %dma_wait3A_297] : memref<1000000x32xf32, #tpu.memory_space<hbm>> -> memref<1280x32xf32, #tpu.memory_space<hbm>>
      %dma_wait3A_299 = arith.constant 0 : i32
      %dma_wait3A_300 = arith.constant 0 : i32
      %dma_wait3A_301 = tpu.memref_slice %arg3[%dma_wait3A_299, %dma_wait3A_300] : memref<1000000x32xf32, #tpu.memory_space<hbm>> -> memref<1280x32xf32, #tpu.memory_space<hbm>>
      tpu.wait_dma2 semaphore(%arg12 : memref<!tpu.dma_semaphore, #tpu.memory_space<semaphore_mem>>) src(%dma_wait3A_301 : memref<1280x32xf32, #tpu.memory_space<hbm>>) dst(%arg8 : memref<1280x32xf32, #tpu.memory_space<vmem>>)
      "tpu.region"() ({
        %run_scoped3A = tpu.sem_alloc : memref<!tpu.dma_semaphore, #tpu.memory_space<semaphore_mem>>
        %dma_start3A_404 = arith.constant 0 : i32
        %dma_start3A_405 = tpu.memref_slice %arg4[%add3A_289, %dma_start3A_404] : memref<819200x32xf32, #tpu.memory_space<hbm>> -> memref<1280x32xf32, #tpu.memory_space<hbm>>
        %dma_start3A_406 = arith.constant 0 : i32
        %dma_start3A_407 = tpu.memref_slice %arg4[%add3A_289, %dma_start3A_406] : memref<819200x32xf32, #tpu.memory_space<hbm>> -> memref<1280x32xf32, #tpu.memory_space<hbm>>
        tpu.enqueue_dma source(%arg8 : memref<1280x32xf32, #tpu.memory_space<vmem>>) target(%dma_start3A_407 : memref<1280x32xf32, #tpu.memory_space<hbm>>) target_semaphore(%run_scoped3A : memref<!tpu.dma_semaphore, #tpu.memory_space<semaphore_mem>>)
        %dma_wait3A_408 = arith.constant 0 : i32
        %dma_wait3A_409 = tpu.memref_slice %arg4[%add3A_289, %dma_wait3A_408] : memref<819200x32xf32, #tpu.memory_space<hbm>> -> memref<1280x32xf32, #tpu.memory_space<hbm>>
        %dma_wait3A_410 = arith.constant 0 : i32
        %dma_wait3A_411 = tpu.memref_slice %arg4[%add3A_289, %dma_wait3A_410] : memref<819200x32xf32, #tpu.memory_space<hbm>> -> memref<1280x32xf32, #tpu.memory_space<hbm>>
        tpu.wait_dma2 semaphore(%run_scoped3A : memref<!tpu.dma_semaphore, #tpu.memory_space<semaphore_mem>>) src(%arg8 : memref<1280x32xf32, #tpu.memory_space<vmem>>) dst(%dma_wait3A_411 : memref<1280x32xf32, #tpu.memory_space<hbm>>)
        tpu.yield
      }) : () -> ()
      "tpu.region"() ({
        %run_scoped3A = tpu.sem_alloc : memref<!tpu.dma_semaphore, #tpu.memory_space<semaphore_mem>>
        %dma_start3A_404 = tpu.memref_slice %arg5[%add3A_289] : memref<819200xf32, #tpu.memory_space<hbm>> -> memref<1280xf32, #tpu.memory_space<hbm>>
        %dma_start3A_405 = tpu.memref_slice %arg5[%add3A_289] : memref<819200xf32, #tpu.memory_space<hbm>> -> memref<1280xf32, #tpu.memory_space<hbm>>
        tpu.enqueue_dma source(%arg10 : memref<1280xf32, #tpu.memory_space<vmem>>) target(%dma_start3A_405 : memref<1280xf32, #tpu.memory_space<hbm>>) target_semaphore(%run_scoped3A : memref<!tpu.dma_semaphore, #tpu.memory_space<semaphore_mem>>)
        %dma_wait3A_406 = tpu.memref_slice %arg5[%add3A_289] : memref<819200xf32, #tpu.memory_space<hbm>> -> memref<1280xf32, #tpu.memory_space<hbm>>
        %dma_wait3A_407 = tpu.memref_slice %arg5[%add3A_289] : memref<819200xf32, #tpu.memory_space<hbm>> -> memref<1280xf32, #tpu.memory_space<hbm>>
        tpu.wait_dma2 semaphore(%run_scoped3A : memref<!tpu.dma_semaphore, #tpu.memory_space<semaphore_mem>>) src(%arg10 : memref<1280xf32, #tpu.memory_space<vmem>>) dst(%dma_wait3A_407 : memref<1280xf32, #tpu.memory_space<hbm>>)
        tpu.yield
      }) : () -> ()
      %add3A_302 = arith.constant 2 : i32
      %add3A_303 = arith.addi %add3A_201, %add3A_302 : i32
      %mul3A_304 = arith.constant 1280 : i32
      %mul3A_305 = arith.muli %add3A_303, %mul3A_304 : i32
      %add3A_306 = arith.addi %mul3A_2, %mul3A_305 : i32
      "tpu.region"() ({
        %run_scoped3A = tpu.sem_alloc : memref<!tpu.dma_semaphore, #tpu.memory_space<semaphore_mem>>
        %dma_start3A_404 = tpu.memref_slice %arg2[%add3A_306] : memref<819200xi32, #tpu.memory_space<hbm>> -> memref<1280xi32, #tpu.memory_space<hbm>>
        %dma_start3A_405 = tpu.memref_slice %arg2[%add3A_306] : memref<819200xi32, #tpu.memory_space<hbm>> -> memref<1280xi32, #tpu.memory_space<hbm>>
        tpu.enqueue_dma source(%dma_start3A_405 : memref<1280xi32, #tpu.memory_space<hbm>>) target(%arg6 : memref<1280xi32, #tpu.memory_space<vmem>>) target_semaphore(%run_scoped3A : memref<!tpu.dma_semaphore, #tpu.memory_space<semaphore_mem>>)
        %dma_wait3A_406 = tpu.memref_slice %arg2[%add3A_306] : memref<819200xi32, #tpu.memory_space<hbm>> -> memref<1280xi32, #tpu.memory_space<hbm>>
        %dma_wait3A_407 = tpu.memref_slice %arg2[%add3A_306] : memref<819200xi32, #tpu.memory_space<hbm>> -> memref<1280xi32, #tpu.memory_space<hbm>>
        tpu.wait_dma2 semaphore(%run_scoped3A : memref<!tpu.dma_semaphore, #tpu.memory_space<semaphore_mem>>) src(%dma_wait3A_407 : memref<1280xi32, #tpu.memory_space<hbm>>) dst(%arg6 : memref<1280xi32, #tpu.memory_space<vmem>>)
        tpu.yield
      }) : () -> ()
      %dma_start3A_307 = arith.constant 0 : i32
      %dma_start3A_308 = arith.constant 0 : i32
      %dma_start3A_309 = tpu.memref_slice %arg8[%dma_start3A_307, %dma_start3A_308] : memref<1280x32xf32, #tpu.memory_space<vmem>> -> memref<128x32xf32, #tpu.memory_space<vmem>>
      %dma_start3A_310 = arith.constant 0 : i32
      %dma_start3A_311 = tpu.memref_slice %arg6[%dma_start3A_310] : memref<1280xi32, #tpu.memory_space<vmem>> -> memref<128xi32, #tpu.memory_space<vmem>>
      %dma_start3A_312 = arith.constant 0 : i32
      %dma_start3A_313 = arith.constant 0 : i32
      %dma_start3A_314 = tpu.memref_slice %arg3[%dma_start3A_312, %dma_start3A_313] : memref<1000000x32xf32, #tpu.memory_space<hbm>> -> memref<1000000x32xf32, #tpu.memory_space<hbm>>
      tpu.enqueue_indirect_dma source(%dma_start3A_314 : memref<1000000x32xf32, #tpu.memory_space<hbm>>) target(%dma_start3A_309 : memref<128x32xf32, #tpu.memory_space<vmem>>) offsets(%dma_start3A_311 : memref<128xi32, #tpu.memory_space<vmem>>) semaphore(%arg12 : memref<!tpu.dma_semaphore, #tpu.memory_space<semaphore_mem>>)
      %dma_start3A_315 = arith.constant 128 : i32
      %dma_start3A_316 = arith.constant 0 : i32
      %dma_start3A_317 = tpu.memref_slice %arg8[%dma_start3A_315, %dma_start3A_316] : memref<1280x32xf32, #tpu.memory_space<vmem>> -> memref<128x32xf32, #tpu.memory_space<vmem>>
      %dma_start3A_318 = arith.constant 128 : i32
      %dma_start3A_319 = tpu.memref_slice %arg6[%dma_start3A_318] : memref<1280xi32, #tpu.memory_space<vmem>> -> memref<128xi32, #tpu.memory_space<vmem>>
      %dma_start3A_320 = arith.constant 0 : i32
      %dma_start3A_321 = arith.constant 0 : i32
      %dma_start3A_322 = tpu.memref_slice %arg3[%dma_start3A_320, %dma_start3A_321] : memref<1000000x32xf32, #tpu.memory_space<hbm>> -> memref<1000000x32xf32, #tpu.memory_space<hbm>>
      tpu.enqueue_indirect_dma source(%dma_start3A_322 : memref<1000000x32xf32, #tpu.memory_space<hbm>>) target(%dma_start3A_317 : memref<128x32xf32, #tpu.memory_space<vmem>>) offsets(%dma_start3A_319 : memref<128xi32, #tpu.memory_space<vmem>>) semaphore(%arg12 : memref<!tpu.dma_semaphore, #tpu.memory_space<semaphore_mem>>)
      %dma_start3A_323 = arith.constant 256 : i32
      %dma_start3A_324 = arith.constant 0 : i32
      %dma_start3A_325 = tpu.memref_slice %arg8[%dma_start3A_323, %dma_start3A_324] : memref<1280x32xf32, #tpu.memory_space<vmem>> -> memref<128x32xf32, #tpu.memory_space<vmem>>
      %dma_start3A_326 = arith.constant 256 : i32
      %dma_start3A_327 = tpu.memref_slice %arg6[%dma_start3A_326] : memref<1280xi32, #tpu.memory_space<vmem>> -> memref<128xi32, #tpu.memory_space<vmem>>
      %dma_start3A_328 = arith.constant 0 : i32
      %dma_start3A_329 = arith.constant 0 : i32
      %dma_start3A_330 = tpu.memref_slice %arg3[%dma_start3A_328, %dma_start3A_329] : memref<1000000x32xf32, #tpu.memory_space<hbm>> -> memref<1000000x32xf32, #tpu.memory_space<hbm>>
      tpu.enqueue_indirect_dma source(%dma_start3A_330 : memref<1000000x32xf32, #tpu.memory_space<hbm>>) target(%dma_start3A_325 : memref<128x32xf32, #tpu.memory_space<vmem>>) offsets(%dma_start3A_327 : memref<128xi32, #tpu.memory_space<vmem>>) semaphore(%arg12 : memref<!tpu.dma_semaphore, #tpu.memory_space<semaphore_mem>>)
      %dma_start3A_331 = arith.constant 384 : i32
      %dma_start3A_332 = arith.constant 0 : i32
      %dma_start3A_333 = tpu.memref_slice %arg8[%dma_start3A_331, %dma_start3A_332] : memref<1280x32xf32, #tpu.memory_space<vmem>> -> memref<128x32xf32, #tpu.memory_space<vmem>>
      %dma_start3A_334 = arith.constant 384 : i32
      %dma_start3A_335 = tpu.memref_slice %arg6[%dma_start3A_334] : memref<1280xi32, #tpu.memory_space<vmem>> -> memref<128xi32, #tpu.memory_space<vmem>>
      %dma_start3A_336 = arith.constant 0 : i32
      %dma_start3A_337 = arith.constant 0 : i32
      %dma_start3A_338 = tpu.memref_slice %arg3[%dma_start3A_336, %dma_start3A_337] : memref<1000000x32xf32, #tpu.memory_space<hbm>> -> memref<1000000x32xf32, #tpu.memory_space<hbm>>
      tpu.enqueue_indirect_dma source(%dma_start3A_338 : memref<1000000x32xf32, #tpu.memory_space<hbm>>) target(%dma_start3A_333 : memref<128x32xf32, #tpu.memory_space<vmem>>) offsets(%dma_start3A_335 : memref<128xi32, #tpu.memory_space<vmem>>) semaphore(%arg12 : memref<!tpu.dma_semaphore, #tpu.memory_space<semaphore_mem>>)
      %dma_start3A_339 = arith.constant 512 : i32
      %dma_start3A_340 = arith.constant 0 : i32
      %dma_start3A_341 = tpu.memref_slice %arg8[%dma_start3A_339, %dma_start3A_340] : memref<1280x32xf32, #tpu.memory_space<vmem>> -> memref<128x32xf32, #tpu.memory_space<vmem>>
      %dma_start3A_342 = arith.constant 512 : i32
      %dma_start3A_343 = tpu.memref_slice %arg6[%dma_start3A_342] : memref<1280xi32, #tpu.memory_space<vmem>> -> memref<128xi32, #tpu.memory_space<vmem>>
      %dma_start3A_344 = arith.constant 0 : i32
      %dma_start3A_345 = arith.constant 0 : i32
      %dma_start3A_346 = tpu.memref_slice %arg3[%dma_start3A_344, %dma_start3A_345] : memref<1000000x32xf32, #tpu.memory_space<hbm>> -> memref<1000000x32xf32, #tpu.memory_space<hbm>>
      tpu.enqueue_indirect_dma source(%dma_start3A_346 : memref<1000000x32xf32, #tpu.memory_space<hbm>>) target(%dma_start3A_341 : memref<128x32xf32, #tpu.memory_space<vmem>>) offsets(%dma_start3A_343 : memref<128xi32, #tpu.memory_space<vmem>>) semaphore(%arg12 : memref<!tpu.dma_semaphore, #tpu.memory_space<semaphore_mem>>)
      %dma_start3A_347 = arith.constant 640 : i32
      %dma_start3A_348 = arith.constant 0 : i32
      %dma_start3A_349 = tpu.memref_slice %arg8[%dma_start3A_347, %dma_start3A_348] : memref<1280x32xf32, #tpu.memory_space<vmem>> -> memref<128x32xf32, #tpu.memory_space<vmem>>
      %dma_start3A_350 = arith.constant 640 : i32
      %dma_start3A_351 = tpu.memref_slice %arg6[%dma_start3A_350] : memref<1280xi32, #tpu.memory_space<vmem>> -> memref<128xi32, #tpu.memory_space<vmem>>
      %dma_start3A_352 = arith.constant 0 : i32
      %dma_start3A_353 = arith.constant 0 : i32
      %dma_start3A_354 = tpu.memref_slice %arg3[%dma_start3A_352, %dma_start3A_353] : memref<1000000x32xf32, #tpu.memory_space<hbm>> -> memref<1000000x32xf32, #tpu.memory_space<hbm>>
      tpu.enqueue_indirect_dma source(%dma_start3A_354 : memref<1000000x32xf32, #tpu.memory_space<hbm>>) target(%dma_start3A_349 : memref<128x32xf32, #tpu.memory_space<vmem>>) offsets(%dma_start3A_351 : memref<128xi32, #tpu.memory_space<vmem>>) semaphore(%arg12 : memref<!tpu.dma_semaphore, #tpu.memory_space<semaphore_mem>>)
      %dma_start3A_355 = arith.constant 768 : i32
      %dma_start3A_356 = arith.constant 0 : i32
      %dma_start3A_357 = tpu.memref_slice %arg8[%dma_start3A_355, %dma_start3A_356] : memref<1280x32xf32, #tpu.memory_space<vmem>> -> memref<128x32xf32, #tpu.memory_space<vmem>>
      %dma_start3A_358 = arith.constant 768 : i32
      %dma_start3A_359 = tpu.memref_slice %arg6[%dma_start3A_358] : memref<1280xi32, #tpu.memory_space<vmem>> -> memref<128xi32, #tpu.memory_space<vmem>>
      %dma_start3A_360 = arith.constant 0 : i32
      %dma_start3A_361 = arith.constant 0 : i32
      %dma_start3A_362 = tpu.memref_slice %arg3[%dma_start3A_360, %dma_start3A_361] : memref<1000000x32xf32, #tpu.memory_space<hbm>> -> memref<1000000x32xf32, #tpu.memory_space<hbm>>
      tpu.enqueue_indirect_dma source(%dma_start3A_362 : memref<1000000x32xf32, #tpu.memory_space<hbm>>) target(%dma_start3A_357 : memref<128x32xf32, #tpu.memory_space<vmem>>) offsets(%dma_start3A_359 : memref<128xi32, #tpu.memory_space<vmem>>) semaphore(%arg12 : memref<!tpu.dma_semaphore, #tpu.memory_space<semaphore_mem>>)
      %dma_start3A_363 = arith.constant 896 : i32
      %dma_start3A_364 = arith.constant 0 : i32
      %dma_start3A_365 = tpu.memref_slice %arg8[%dma_start3A_363, %dma_start3A_364] : memref<1280x32xf32, #tpu.memory_space<vmem>> -> memref<128x32xf32, #tpu.memory_space<vmem>>
      %dma_start3A_366 = arith.constant 896 : i32
      %dma_start3A_367 = tpu.memref_slice %arg6[%dma_start3A_366] : memref<1280xi32, #tpu.memory_space<vmem>> -> memref<128xi32, #tpu.memory_space<vmem>>
      %dma_start3A_368 = arith.constant 0 : i32
      %dma_start3A_369 = arith.constant 0 : i32
      %dma_start3A_370 = tpu.memref_slice %arg3[%dma_start3A_368, %dma_start3A_369] : memref<1000000x32xf32, #tpu.memory_space<hbm>> -> memref<1000000x32xf32, #tpu.memory_space<hbm>>
      tpu.enqueue_indirect_dma source(%dma_start3A_370 : memref<1000000x32xf32, #tpu.memory_space<hbm>>) target(%dma_start3A_365 : memref<128x32xf32, #tpu.memory_space<vmem>>) offsets(%dma_start3A_367 : memref<128xi32, #tpu.memory_space<vmem>>) semaphore(%arg12 : memref<!tpu.dma_semaphore, #tpu.memory_space<semaphore_mem>>)
      %dma_start3A_371 = arith.constant 1024 : i32
      %dma_start3A_372 = arith.constant 0 : i32
      %dma_start3A_373 = tpu.memref_slice %arg8[%dma_start3A_371, %dma_start3A_372] : memref<1280x32xf32, #tpu.memory_space<vmem>> -> memref<128x32xf32, #tpu.memory_space<vmem>>
      %dma_start3A_374 = arith.constant 1024 : i32
      %dma_start3A_375 = tpu.memref_slice %arg6[%dma_start3A_374] : memref<1280xi32, #tpu.memory_space<vmem>> -> memref<128xi32, #tpu.memory_space<vmem>>
      %dma_start3A_376 = arith.constant 0 : i32
      %dma_start3A_377 = arith.constant 0 : i32
      %dma_start3A_378 = tpu.memref_slice %arg3[%dma_start3A_376, %dma_start3A_377] : memref<1000000x32xf32, #tpu.memory_space<hbm>> -> memref<1000000x32xf32, #tpu.memory_space<hbm>>
      tpu.enqueue_indirect_dma source(%dma_start3A_378 : memref<1000000x32xf32, #tpu.memory_space<hbm>>) target(%dma_start3A_373 : memref<128x32xf32, #tpu.memory_space<vmem>>) offsets(%dma_start3A_375 : memref<128xi32, #tpu.memory_space<vmem>>) semaphore(%arg12 : memref<!tpu.dma_semaphore, #tpu.memory_space<semaphore_mem>>)
      %dma_start3A_379 = arith.constant 1152 : i32
      %dma_start3A_380 = arith.constant 0 : i32
      %dma_start3A_381 = tpu.memref_slice %arg8[%dma_start3A_379, %dma_start3A_380] : memref<1280x32xf32, #tpu.memory_space<vmem>> -> memref<128x32xf32, #tpu.memory_space<vmem>>
      %dma_start3A_382 = arith.constant 1152 : i32
      %dma_start3A_383 = tpu.memref_slice %arg6[%dma_start3A_382] : memref<1280xi32, #tpu.memory_space<vmem>> -> memref<128xi32, #tpu.memory_space<vmem>>
      %dma_start3A_384 = arith.constant 0 : i32
      %dma_start3A_385 = arith.constant 0 : i32
      %dma_start3A_386 = tpu.memref_slice %arg3[%dma_start3A_384, %dma_start3A_385] : memref<1000000x32xf32, #tpu.memory_space<hbm>> -> memref<1000000x32xf32, #tpu.memory_space<hbm>>
      tpu.enqueue_indirect_dma source(%dma_start3A_386 : memref<1000000x32xf32, #tpu.memory_space<hbm>>) target(%dma_start3A_381 : memref<128x32xf32, #tpu.memory_space<vmem>>) offsets(%dma_start3A_383 : memref<128xi32, #tpu.memory_space<vmem>>) semaphore(%arg12 : memref<!tpu.dma_semaphore, #tpu.memory_space<semaphore_mem>>)
      %add3A_387 = arith.constant 1 : i32
      %add3A_388 = arith.addi %add3A_201, %add3A_387 : i32
      %mul3A_389 = arith.constant 1280 : i32
      %mul3A_390 = arith.muli %add3A_388, %mul3A_389 : i32
      %add3A_391 = arith.addi %mul3A_2, %mul3A_390 : i32
      %scan3A_392 = arith.constant 0 : i32
      %scan3A_393 = arith.constant 0 : i32
      %scan3A_394 = arith.constant 80 : i32
      %scan3A_395 = arith.addi %scan3A_393, %scan3A_394 : i32
      %scan3A_396 = arith.constant 1 : i32
      scf.for %scan3A_404 = %scan3A_393 to %scan3A_395 step %scan3A_396  : i32 {
        %mul3A_405 = arith.constant 16 : i32
        %mul3A_406 = arith.muli %scan3A_404, %mul3A_405 : i32
        %get3A = arith.index_cast %mul3A_406 : i32 to index
        %get3A_407 = tpu.vector_load %arg7[%get3A] {strides = array<i32>} : memref<1280xi32, #tpu.memory_space<vmem>>, vector<16xi32>,
        %get3A_408 = vector.shape_cast %get3A_407 : vector<16xi32> to vector<16xi32>
        %ne3A = arith.constant 0 : i32
        %ne3A_409 = vector.broadcast %ne3A : i32 to vector<16xi32>
        %ne3A_410 = arith.cmpi ne, %get3A_408, %ne3A_409 : vector<16xi32>
        %broadcast_in_dim3A = arith.constant 1.000000e+00 : f32
        %broadcast_in_dim3A_411 = vector.broadcast %broadcast_in_dim3A : f32 to vector<16xf32>
        %broadcast_in_dim3A_412 = arith.constant 0.000000e+00 : f32
        %broadcast_in_dim3A_413 = vector.broadcast %broadcast_in_dim3A_412 : f32 to vector<16xf32>
        %select_n3A = arith.select %ne3A_410, %broadcast_in_dim3A_411, %broadcast_in_dim3A_413 : vector<16xi1>, vector<16xf32>
        %mul3A_414 = arith.constant 16 : i32
        %mul3A_415 = arith.muli %scan3A_404, %mul3A_414 : i32
        %swap3A = arith.index_cast %mul3A_415 : i32 to index
        %swap3A_416 = tpu.vector_load %arg11[%swap3A] {strides = array<i32>} : memref<1280xf32, #tpu.memory_space<vmem>>, vector<16xf32>,
        %swap3A_417 = vector.shape_cast %swap3A_416 : vector<16xf32> to vector<16xf32>
        %swap3A_418 = vector.shape_cast %select_n3A : vector<16xf32> to vector<16xf32>
        tpu.vector_store %arg11[%swap3A], %swap3A_418 {strides = array<i32>} : memref<1280xf32, #tpu.memory_space<vmem>>, vector<16xf32>,
      }
      %scan3A_397 = arith.constant 80 : i32
      %dma_wait3A_398 = arith.constant 0 : i32
      %dma_wait3A_399 = arith.constant 0 : i32
      %dma_wait3A_400 = tpu.memref_slice %arg3[%dma_wait3A_398, %dma_wait3A_399] : memref<1000000x32xf32, #tpu.memory_space<hbm>> -> memref<1280x32xf32, #tpu.memory_space<hbm>>
      %dma_wait3A_401 = arith.constant 0 : i32
      %dma_wait3A_402 = arith.constant 0 : i32
      %dma_wait3A_403 = tpu.memref_slice %arg3[%dma_wait3A_401, %dma_wait3A_402] : memref<1000000x32xf32, #tpu.memory_space<hbm>> -> memref<1280x32xf32, #tpu.memory_space<hbm>>
      tpu.wait_dma2 semaphore(%arg13 : memref<!tpu.dma_semaphore, #tpu.memory_space<semaphore_mem>>) src(%dma_wait3A_403 : memref<1280x32xf32, #tpu.memory_space<hbm>>) dst(%arg9 : memref<1280x32xf32, #tpu.memory_space<vmem>>)
      "tpu.region"() ({
        %run_scoped3A = tpu.sem_alloc : memref<!tpu.dma_semaphore, #tpu.memory_space<semaphore_mem>>
        %dma_start3A_404 = arith.constant 0 : i32
        %dma_start3A_405 = tpu.memref_slice %arg4[%add3A_391, %dma_start3A_404] : memref<819200x32xf32, #tpu.memory_space<hbm>> -> memref<1280x32xf32, #tpu.memory_space<hbm>>
        %dma_start3A_406 = arith.constant 0 : i32
        %dma_start3A_407 = tpu.memref_slice %arg4[%add3A_391, %dma_start3A_406] : memref<819200x32xf32, #tpu.memory_space<hbm>> -> memref<1280x32xf32, #tpu.memory_space<hbm>>
        tpu.enqueue_dma source(%arg9 : memref<1280x32xf32, #tpu.memory_space<vmem>>) target(%dma_start3A_407 : memref<1280x32xf32, #tpu.memory_space<hbm>>) target_semaphore(%run_scoped3A : memref<!tpu.dma_semaphore, #tpu.memory_space<semaphore_mem>>)
        %dma_wait3A_408 = arith.constant 0 : i32
        %dma_wait3A_409 = tpu.memref_slice %arg4[%add3A_391, %dma_wait3A_408] : memref<819200x32xf32, #tpu.memory_space<hbm>> -> memref<1280x32xf32, #tpu.memory_space<hbm>>
        %dma_wait3A_410 = arith.constant 0 : i32
        %dma_wait3A_411 = tpu.memref_slice %arg4[%add3A_391, %dma_wait3A_410] : memref<819200x32xf32, #tpu.memory_space<hbm>> -> memref<1280x32xf32, #tpu.memory_space<hbm>>
        tpu.wait_dma2 semaphore(%run_scoped3A : memref<!tpu.dma_semaphore, #tpu.memory_space<semaphore_mem>>) src(%arg9 : memref<1280x32xf32, #tpu.memory_space<vmem>>) dst(%dma_wait3A_411 : memref<1280x32xf32, #tpu.memory_space<hbm>>)
        tpu.yield
      }) : () -> ()
      "tpu.region"() ({
        %run_scoped3A = tpu.sem_alloc : memref<!tpu.dma_semaphore, #tpu.memory_space<semaphore_mem>>
        %dma_start3A_404 = tpu.memref_slice %arg5[%add3A_391] : memref<819200xf32, #tpu.memory_space<hbm>> -> memref<1280xf32, #tpu.memory_space<hbm>>
        %dma_start3A_405 = tpu.memref_slice %arg5[%add3A_391] : memref<819200xf32, #tpu.memory_space<hbm>> -> memref<1280xf32, #tpu.memory_space<hbm>>
        tpu.enqueue_dma source(%arg11 : memref<1280xf32, #tpu.memory_space<vmem>>) target(%dma_start3A_405 : memref<1280xf32, #tpu.memory_space<hbm>>) target_semaphore(%run_scoped3A : memref<!tpu.dma_semaphore, #tpu.memory_space<semaphore_mem>>)
        %dma_wait3A_406 = tpu.memref_slice %arg5[%add3A_391] : memref<819200xf32, #tpu.memory_space<hbm>> -> memref<1280xf32, #tpu.memory_space<hbm>>
        %dma_wait3A_407 = tpu.memref_slice %arg5[%add3A_391] : memref<819200xf32, #tpu.memory_space<hbm>> -> memref<1280xf32, #tpu.memory_space<hbm>>
        tpu.wait_dma2 semaphore(%run_scoped3A : memref<!tpu.dma_semaphore, #tpu.memory_space<semaphore_mem>>) src(%arg11 : memref<1280xf32, #tpu.memory_space<vmem>>) dst(%dma_wait3A_407 : memref<1280xf32, #tpu.memory_space<hbm>>)
        tpu.yield
      }) : () -> ()
    }
    %scan3A_87 = arith.constant 9 : i32
    %add3A_88 = arith.constant 24320 : i32
    %add3A_89 = arith.addi %mul3A_2, %add3A_88 : i32
    "tpu.region"() ({
      %run_scoped3A = tpu.sem_alloc : memref<!tpu.dma_semaphore, #tpu.memory_space<semaphore_mem>>
      %dma_start3A_197 = tpu.memref_slice %arg2[%add3A_89] : memref<819200xi32, #tpu.memory_space<hbm>> -> memref<1280xi32, #tpu.memory_space<hbm>>
      %dma_start3A_198 = tpu.memref_slice %arg2[%add3A_89] : memref<819200xi32, #tpu.memory_space<hbm>> -> memref<1280xi32, #tpu.memory_space<hbm>>
      tpu.enqueue_dma source(%dma_start3A_198 : memref<1280xi32, #tpu.memory_space<hbm>>) target(%arg7 : memref<1280xi32, #tpu.memory_space<vmem>>) target_semaphore(%run_scoped3A : memref<!tpu.dma_semaphore, #tpu.memory_space<semaphore_mem>>)
      %dma_wait3A_199 = tpu.memref_slice %arg2[%add3A_89] : memref<819200xi32, #tpu.memory_space<hbm>> -> memref<1280xi32, #tpu.memory_space<hbm>>
      %dma_wait3A_200 = tpu.memref_slice %arg2[%add3A_89] : memref<819200xi32, #tpu.memory_space<hbm>> -> memref<1280xi32, #tpu.memory_space<hbm>>
      tpu.wait_dma2 semaphore(%run_scoped3A : memref<!tpu.dma_semaphore, #tpu.memory_space<semaphore_mem>>) src(%dma_wait3A_200 : memref<1280xi32, #tpu.memory_space<hbm>>) dst(%arg7 : memref<1280xi32, #tpu.memory_space<vmem>>)
      tpu.yield
    }) : () -> ()
    %dma_start3A_90 = arith.constant 0 : i32
    %dma_start3A_91 = arith.constant 0 : i32
    %dma_start3A_92 = tpu.memref_slice %arg9[%dma_start3A_90, %dma_start3A_91] : memref<1280x32xf32, #tpu.memory_space<vmem>> -> memref<128x32xf32, #tpu.memory_space<vmem>>
    %dma_start3A_93 = arith.constant 0 : i32
    %dma_start3A_94 = tpu.memref_slice %arg7[%dma_start3A_93] : memref<1280xi32, #tpu.memory_space<vmem>> -> memref<128xi32, #tpu.memory_space<vmem>>
    %dma_start3A_95 = arith.constant 0 : i32
    %dma_start3A_96 = arith.constant 0 : i32
    %dma_start3A_97 = tpu.memref_slice %arg3[%dma_start3A_95, %dma_start3A_96] : memref<1000000x32xf32, #tpu.memory_space<hbm>> -> memref<1000000x32xf32, #tpu.memory_space<hbm>>
    tpu.enqueue_indirect_dma source(%dma_start3A_97 : memref<1000000x32xf32, #tpu.memory_space<hbm>>) target(%dma_start3A_92 : memref<128x32xf32, #tpu.memory_space<vmem>>) offsets(%dma_start3A_94 : memref<128xi32, #tpu.memory_space<vmem>>) semaphore(%arg13 : memref<!tpu.dma_semaphore, #tpu.memory_space<semaphore_mem>>)
    %dma_start3A_98 = arith.constant 128 : i32
    %dma_start3A_99 = arith.constant 0 : i32
    %dma_start3A_100 = tpu.memref_slice %arg9[%dma_start3A_98, %dma_start3A_99] : memref<1280x32xf32, #tpu.memory_space<vmem>> -> memref<128x32xf32, #tpu.memory_space<vmem>>
    %dma_start3A_101 = arith.constant 128 : i32
    %dma_start3A_102 = tpu.memref_slice %arg7[%dma_start3A_101] : memref<1280xi32, #tpu.memory_space<vmem>> -> memref<128xi32, #tpu.memory_space<vmem>>
    %dma_start3A_103 = arith.constant 0 : i32
    %dma_start3A_104 = arith.constant 0 : i32
    %dma_start3A_105 = tpu.memref_slice %arg3[%dma_start3A_103, %dma_start3A_104] : memref<1000000x32xf32, #tpu.memory_space<hbm>> -> memref<1000000x32xf32, #tpu.memory_space<hbm>>
    tpu.enqueue_indirect_dma source(%dma_start3A_105 : memref<1000000x32xf32, #tpu.memory_space<hbm>>) target(%dma_start3A_100 : memref<128x32xf32, #tpu.memory_space<vmem>>) offsets(%dma_start3A_102 : memref<128xi32, #tpu.memory_space<vmem>>) semaphore(%arg13 : memref<!tpu.dma_semaphore, #tpu.memory_space<semaphore_mem>>)
    %dma_start3A_106 = arith.constant 256 : i32
    %dma_start3A_107 = arith.constant 0 : i32
    %dma_start3A_108 = tpu.memref_slice %arg9[%dma_start3A_106, %dma_start3A_107] : memref<1280x32xf32, #tpu.memory_space<vmem>> -> memref<128x32xf32, #tpu.memory_space<vmem>>
    %dma_start3A_109 = arith.constant 256 : i32
    %dma_start3A_110 = tpu.memref_slice %arg7[%dma_start3A_109] : memref<1280xi32, #tpu.memory_space<vmem>> -> memref<128xi32, #tpu.memory_space<vmem>>
    %dma_start3A_111 = arith.constant 0 : i32
    %dma_start3A_112 = arith.constant 0 : i32
    %dma_start3A_113 = tpu.memref_slice %arg3[%dma_start3A_111, %dma_start3A_112] : memref<1000000x32xf32, #tpu.memory_space<hbm>> -> memref<1000000x32xf32, #tpu.memory_space<hbm>>
    tpu.enqueue_indirect_dma source(%dma_start3A_113 : memref<1000000x32xf32, #tpu.memory_space<hbm>>) target(%dma_start3A_108 : memref<128x32xf32, #tpu.memory_space<vmem>>) offsets(%dma_start3A_110 : memref<128xi32, #tpu.memory_space<vmem>>) semaphore(%arg13 : memref<!tpu.dma_semaphore, #tpu.memory_space<semaphore_mem>>)
    %dma_start3A_114 = arith.constant 384 : i32
    %dma_start3A_115 = arith.constant 0 : i32
    %dma_start3A_116 = tpu.memref_slice %arg9[%dma_start3A_114, %dma_start3A_115] : memref<1280x32xf32, #tpu.memory_space<vmem>> -> memref<128x32xf32, #tpu.memory_space<vmem>>
    %dma_start3A_117 = arith.constant 384 : i32
    %dma_start3A_118 = tpu.memref_slice %arg7[%dma_start3A_117] : memref<1280xi32, #tpu.memory_space<vmem>> -> memref<128xi32, #tpu.memory_space<vmem>>
    %dma_start3A_119 = arith.constant 0 : i32
    %dma_start3A_120 = arith.constant 0 : i32
    %dma_start3A_121 = tpu.memref_slice %arg3[%dma_start3A_119, %dma_start3A_120] : memref<1000000x32xf32, #tpu.memory_space<hbm>> -> memref<1000000x32xf32, #tpu.memory_space<hbm>>
    tpu.enqueue_indirect_dma source(%dma_start3A_121 : memref<1000000x32xf32, #tpu.memory_space<hbm>>) target(%dma_start3A_116 : memref<128x32xf32, #tpu.memory_space<vmem>>) offsets(%dma_start3A_118 : memref<128xi32, #tpu.memory_space<vmem>>) semaphore(%arg13 : memref<!tpu.dma_semaphore, #tpu.memory_space<semaphore_mem>>)
    %dma_start3A_122 = arith.constant 512 : i32
    %dma_start3A_123 = arith.constant 0 : i32
    %dma_start3A_124 = tpu.memref_slice %arg9[%dma_start3A_122, %dma_start3A_123] : memref<1280x32xf32, #tpu.memory_space<vmem>> -> memref<128x32xf32, #tpu.memory_space<vmem>>
    %dma_start3A_125 = arith.constant 512 : i32
    %dma_start3A_126 = tpu.memref_slice %arg7[%dma_start3A_125] : memref<1280xi32, #tpu.memory_space<vmem>> -> memref<128xi32, #tpu.memory_space<vmem>>
    %dma_start3A_127 = arith.constant 0 : i32
    %dma_start3A_128 = arith.constant 0 : i32
    %dma_start3A_129 = tpu.memref_slice %arg3[%dma_start3A_127, %dma_start3A_128] : memref<1000000x32xf32, #tpu.memory_space<hbm>> -> memref<1000000x32xf32, #tpu.memory_space<hbm>>
    tpu.enqueue_indirect_dma source(%dma_start3A_129 : memref<1000000x32xf32, #tpu.memory_space<hbm>>) target(%dma_start3A_124 : memref<128x32xf32, #tpu.memory_space<vmem>>) offsets(%dma_start3A_126 : memref<128xi32, #tpu.memory_space<vmem>>) semaphore(%arg13 : memref<!tpu.dma_semaphore, #tpu.memory_space<semaphore_mem>>)
    %dma_start3A_130 = arith.constant 640 : i32
    %dma_start3A_131 = arith.constant 0 : i32
    %dma_start3A_132 = tpu.memref_slice %arg9[%dma_start3A_130, %dma_start3A_131] : memref<1280x32xf32, #tpu.memory_space<vmem>> -> memref<128x32xf32, #tpu.memory_space<vmem>>
    %dma_start3A_133 = arith.constant 640 : i32
    %dma_start3A_134 = tpu.memref_slice %arg7[%dma_start3A_133] : memref<1280xi32, #tpu.memory_space<vmem>> -> memref<128xi32, #tpu.memory_space<vmem>>
    %dma_start3A_135 = arith.constant 0 : i32
    %dma_start3A_136 = arith.constant 0 : i32
    %dma_start3A_137 = tpu.memref_slice %arg3[%dma_start3A_135, %dma_start3A_136] : memref<1000000x32xf32, #tpu.memory_space<hbm>> -> memref<1000000x32xf32, #tpu.memory_space<hbm>>
    tpu.enqueue_indirect_dma source(%dma_start3A_137 : memref<1000000x32xf32, #tpu.memory_space<hbm>>) target(%dma_start3A_132 : memref<128x32xf32, #tpu.memory_space<vmem>>) offsets(%dma_start3A_134 : memref<128xi32, #tpu.memory_space<vmem>>) semaphore(%arg13 : memref<!tpu.dma_semaphore, #tpu.memory_space<semaphore_mem>>)
    %dma_start3A_138 = arith.constant 768 : i32
    %dma_start3A_139 = arith.constant 0 : i32
    %dma_start3A_140 = tpu.memref_slice %arg9[%dma_start3A_138, %dma_start3A_139] : memref<1280x32xf32, #tpu.memory_space<vmem>> -> memref<128x32xf32, #tpu.memory_space<vmem>>
    %dma_start3A_141 = arith.constant 768 : i32
    %dma_start3A_142 = tpu.memref_slice %arg7[%dma_start3A_141] : memref<1280xi32, #tpu.memory_space<vmem>> -> memref<128xi32, #tpu.memory_space<vmem>>
    %dma_start3A_143 = arith.constant 0 : i32
    %dma_start3A_144 = arith.constant 0 : i32
    %dma_start3A_145 = tpu.memref_slice %arg3[%dma_start3A_143, %dma_start3A_144] : memref<1000000x32xf32, #tpu.memory_space<hbm>> -> memref<1000000x32xf32, #tpu.memory_space<hbm>>
    tpu.enqueue_indirect_dma source(%dma_start3A_145 : memref<1000000x32xf32, #tpu.memory_space<hbm>>) target(%dma_start3A_140 : memref<128x32xf32, #tpu.memory_space<vmem>>) offsets(%dma_start3A_142 : memref<128xi32, #tpu.memory_space<vmem>>) semaphore(%arg13 : memref<!tpu.dma_semaphore, #tpu.memory_space<semaphore_mem>>)
    %dma_start3A_146 = arith.constant 896 : i32
    %dma_start3A_147 = arith.constant 0 : i32
    %dma_start3A_148 = tpu.memref_slice %arg9[%dma_start3A_146, %dma_start3A_147] : memref<1280x32xf32, #tpu.memory_space<vmem>> -> memref<128x32xf32, #tpu.memory_space<vmem>>
    %dma_start3A_149 = arith.constant 896 : i32
    %dma_start3A_150 = tpu.memref_slice %arg7[%dma_start3A_149] : memref<1280xi32, #tpu.memory_space<vmem>> -> memref<128xi32, #tpu.memory_space<vmem>>
    %dma_start3A_151 = arith.constant 0 : i32
    %dma_start3A_152 = arith.constant 0 : i32
    %dma_start3A_153 = tpu.memref_slice %arg3[%dma_start3A_151, %dma_start3A_152] : memref<1000000x32xf32, #tpu.memory_space<hbm>> -> memref<1000000x32xf32, #tpu.memory_space<hbm>>
    tpu.enqueue_indirect_dma source(%dma_start3A_153 : memref<1000000x32xf32, #tpu.memory_space<hbm>>) target(%dma_start3A_148 : memref<128x32xf32, #tpu.memory_space<vmem>>) offsets(%dma_start3A_150 : memref<128xi32, #tpu.memory_space<vmem>>) semaphore(%arg13 : memref<!tpu.dma_semaphore, #tpu.memory_space<semaphore_mem>>)
    %dma_start3A_154 = arith.constant 1024 : i32
    %dma_start3A_155 = arith.constant 0 : i32
    %dma_start3A_156 = tpu.memref_slice %arg9[%dma_start3A_154, %dma_start3A_155] : memref<1280x32xf32, #tpu.memory_space<vmem>> -> memref<128x32xf32, #tpu.memory_space<vmem>>
    %dma_start3A_157 = arith.constant 1024 : i32
    %dma_start3A_158 = tpu.memref_slice %arg7[%dma_start3A_157] : memref<1280xi32, #tpu.memory_space<vmem>> -> memref<128xi32, #tpu.memory_space<vmem>>
    %dma_start3A_159 = arith.constant 0 : i32
    %dma_start3A_160 = arith.constant 0 : i32
    %dma_start3A_161 = tpu.memref_slice %arg3[%dma_start3A_159, %dma_start3A_160] : memref<1000000x32xf32, #tpu.memory_space<hbm>> -> memref<1000000x32xf32, #tpu.memory_space<hbm>>
    tpu.enqueue_indirect_dma source(%dma_start3A_161 : memref<1000000x32xf32, #tpu.memory_space<hbm>>) target(%dma_start3A_156 : memref<128x32xf32, #tpu.memory_space<vmem>>) offsets(%dma_start3A_158 : memref<128xi32, #tpu.memory_space<vmem>>) semaphore(%arg13 : memref<!tpu.dma_semaphore, #tpu.memory_space<semaphore_mem>>)
    %dma_start3A_162 = arith.constant 1152 : i32
    %dma_start3A_163 = arith.constant 0 : i32
    %dma_start3A_164 = tpu.memref_slice %arg9[%dma_start3A_162, %dma_start3A_163] : memref<1280x32xf32, #tpu.memory_space<vmem>> -> memref<128x32xf32, #tpu.memory_space<vmem>>
    %dma_start3A_165 = arith.constant 1152 : i32
    %dma_start3A_166 = tpu.memref_slice %arg7[%dma_start3A_165] : memref<1280xi32, #tpu.memory_space<vmem>> -> memref<128xi32, #tpu.memory_space<vmem>>
    %dma_start3A_167 = arith.constant 0 : i32
    %dma_start3A_168 = arith.constant 0 : i32
    %dma_start3A_169 = tpu.memref_slice %arg3[%dma_start3A_167, %dma_start3A_168] : memref<1000000x32xf32, #tpu.memory_space<hbm>> -> memref<1000000x32xf32, #tpu.memory_space<hbm>>
    tpu.enqueue_indirect_dma source(%dma_start3A_169 : memref<1000000x32xf32, #tpu.memory_space<hbm>>) target(%dma_start3A_164 : memref<128x32xf32, #tpu.memory_space<vmem>>) offsets(%dma_start3A_166 : memref<128xi32, #tpu.memory_space<vmem>>) semaphore(%arg13 : memref<!tpu.dma_semaphore, #tpu.memory_space<semaphore_mem>>)
    %add3A_170 = arith.constant 23040 : i32
    %add3A_171 = arith.addi %mul3A_2, %add3A_170 : i32
    %scan3A_172 = arith.constant 0 : i32
    %scan3A_173 = arith.constant 0 : i32
    %scan3A_174 = arith.constant 80 : i32
    %scan3A_175 = arith.addi %scan3A_173, %scan3A_174 : i32
    %scan3A_176 = arith.constant 1 : i32
    scf.for %scan3A_197 = %scan3A_173 to %scan3A_175 step %scan3A_176  : i32 {
      %mul3A_198 = arith.constant 16 : i32
      %mul3A_199 = arith.muli %scan3A_197, %mul3A_198 : i32
      %get3A = arith.index_cast %mul3A_199 : i32 to index
      %get3A_200 = tpu.vector_load %arg6[%get3A] {strides = array<i32>} : memref<1280xi32, #tpu.memory_space<vmem>>, vector<16xi32>,
      %get3A_201 = vector.shape_cast %get3A_200 : vector<16xi32> to vector<16xi32>
      %ne3A = arith.constant 0 : i32
      %ne3A_202 = vector.broadcast %ne3A : i32 to vector<16xi32>
      %ne3A_203 = arith.cmpi ne, %get3A_201, %ne3A_202 : vector<16xi32>
      %broadcast_in_dim3A = arith.constant 1.000000e+00 : f32
      %broadcast_in_dim3A_204 = vector.broadcast %broadcast_in_dim3A : f32 to vector<16xf32>
      %broadcast_in_dim3A_205 = arith.constant 0.000000e+00 : f32
      %broadcast_in_dim3A_206 = vector.broadcast %broadcast_in_dim3A_205 : f32 to vector<16xf32>
      %select_n3A = arith.select %ne3A_203, %broadcast_in_dim3A_204, %broadcast_in_dim3A_206 : vector<16xi1>, vector<16xf32>
      %mul3A_207 = arith.constant 16 : i32
      %mul3A_208 = arith.muli %scan3A_197, %mul3A_207 : i32
      %swap3A = arith.index_cast %mul3A_208 : i32 to index
      %swap3A_209 = tpu.vector_load %arg10[%swap3A] {strides = array<i32>} : memref<1280xf32, #tpu.memory_space<vmem>>, vector<16xf32>,
      %swap3A_210 = vector.shape_cast %swap3A_209 : vector<16xf32> to vector<16xf32>
      %swap3A_211 = vector.shape_cast %select_n3A : vector<16xf32> to vector<16xf32>
      tpu.vector_store %arg10[%swap3A], %swap3A_211 {strides = array<i32>} : memref<1280xf32, #tpu.memory_space<vmem>>, vector<16xf32>,
    }
    %scan3A_177 = arith.constant 80 : i32
    %dma_wait3A = arith.constant 0 : i32
    %dma_wait3A_178 = arith.constant 0 : i32
    %dma_wait3A_179 = tpu.memref_slice %arg3[%dma_wait3A, %dma_wait3A_178] : memref<1000000x32xf32, #tpu.memory_space<hbm>> -> memref<1280x32xf32, #tpu.memory_space<hbm>>
    %dma_wait3A_180 = arith.constant 0 : i32
    %dma_wait3A_181 = arith.constant 0 : i32
    %dma_wait3A_182 = tpu.memref_slice %arg3[%dma_wait3A_180, %dma_wait3A_181] : memref<1000000x32xf32, #tpu.memory_space<hbm>> -> memref<1280x32xf32, #tpu.memory_space<hbm>>
    tpu.wait_dma2 semaphore(%arg12 : memref<!tpu.dma_semaphore, #tpu.memory_space<semaphore_mem>>) src(%dma_wait3A_182 : memref<1280x32xf32, #tpu.memory_space<hbm>>) dst(%arg8 : memref<1280x32xf32, #tpu.memory_space<vmem>>)
    "tpu.region"() ({
      %run_scoped3A = tpu.sem_alloc : memref<!tpu.dma_semaphore, #tpu.memory_space<semaphore_mem>>
      %dma_start3A_197 = arith.constant 0 : i32
      %dma_start3A_198 = tpu.memref_slice %arg4[%add3A_171, %dma_start3A_197] : memref<819200x32xf32, #tpu.memory_space<hbm>> -> memref<1280x32xf32, #tpu.memory_space<hbm>>
      %dma_start3A_199 = arith.constant 0 : i32
      %dma_start3A_200 = tpu.memref_slice %arg4[%add3A_171, %dma_start3A_199] : memref<819200x32xf32, #tpu.memory_space<hbm>> -> memref<1280x32xf32, #tpu.memory_space<hbm>>
      tpu.enqueue_dma source(%arg8 : memref<1280x32xf32, #tpu.memory_space<vmem>>) target(%dma_start3A_200 : memref<1280x32xf32, #tpu.memory_space<hbm>>) target_semaphore(%run_scoped3A : memref<!tpu.dma_semaphore, #tpu.memory_space<semaphore_mem>>)
      %dma_wait3A_201 = arith.constant 0 : i32
      %dma_wait3A_202 = tpu.memref_slice %arg4[%add3A_171, %dma_wait3A_201] : memref<819200x32xf32, #tpu.memory_space<hbm>> -> memref<1280x32xf32, #tpu.memory_space<hbm>>
      %dma_wait3A_203 = arith.constant 0 : i32
      %dma_wait3A_204 = tpu.memref_slice %arg4[%add3A_171, %dma_wait3A_203] : memref<819200x32xf32, #tpu.memory_space<hbm>> -> memref<1280x32xf32, #tpu.memory_space<hbm>>
      tpu.wait_dma2 semaphore(%run_scoped3A : memref<!tpu.dma_semaphore, #tpu.memory_space<semaphore_mem>>) src(%arg8 : memref<1280x32xf32, #tpu.memory_space<vmem>>) dst(%dma_wait3A_204 : memref<1280x32xf32, #tpu.memory_space<hbm>>)
      tpu.yield
    }) : () -> ()
    "tpu.region"() ({
      %run_scoped3A = tpu.sem_alloc : memref<!tpu.dma_semaphore, #tpu.memory_space<semaphore_mem>>
      %dma_start3A_197 = tpu.memref_slice %arg5[%add3A_171] : memref<819200xf32, #tpu.memory_space<hbm>> -> memref<1280xf32, #tpu.memory_space<hbm>>
      %dma_start3A_198 = tpu.memref_slice %arg5[%add3A_171] : memref<819200xf32, #tpu.memory_space<hbm>> -> memref<1280xf32, #tpu.memory_space<hbm>>
      tpu.enqueue_dma source(%arg10 : memref<1280xf32, #tpu.memory_space<vmem>>) target(%dma_start3A_198 : memref<1280xf32, #tpu.memory_space<hbm>>) target_semaphore(%run_scoped3A : memref<!tpu.dma_semaphore, #tpu.memory_space<semaphore_mem>>)
      %dma_wait3A_199 = tpu.memref_slice %arg5[%add3A_171] : memref<819200xf32, #tpu.memory_space<hbm>> -> memref<1280xf32, #tpu.memory_space<hbm>>
      %dma_wait3A_200 = tpu.memref_slice %arg5[%add3A_171] : memref<819200xf32, #tpu.memory_space<hbm>> -> memref<1280xf32, #tpu.memory_space<hbm>>
      tpu.wait_dma2 semaphore(%run_scoped3A : memref<!tpu.dma_semaphore, #tpu.memory_space<semaphore_mem>>) src(%arg10 : memref<1280xf32, #tpu.memory_space<vmem>>) dst(%dma_wait3A_200 : memref<1280xf32, #tpu.memory_space<hbm>>)
      tpu.yield
    }) : () -> ()
    %add3A_183 = arith.constant 24320 : i32
    %add3A_184 = arith.addi %mul3A_2, %add3A_183 : i32
    %scan3A_185 = arith.constant 0 : i32
    %scan3A_186 = arith.constant 0 : i32
    %scan3A_187 = arith.constant 80 : i32
    %scan3A_188 = arith.addi %scan3A_186, %scan3A_187 : i32
    %scan3A_189 = arith.constant 1 : i32
    scf.for %scan3A_197 = %scan3A_186 to %scan3A_188 step %scan3A_189  : i32 {
      %mul3A_198 = arith.constant 16 : i32
      %mul3A_199 = arith.muli %scan3A_197, %mul3A_198 : i32
      %get3A = arith.index_cast %mul3A_199 : i32 to index
      %get3A_200 = tpu.vector_load %arg7[%get3A] {strides = array<i32>} : memref<1280xi32, #tpu.memory_space<vmem>>, vector<16xi32>,
      %get3A_201 = vector.shape_cast %get3A_200 : vector<16xi32> to vector<16xi32>
      %ne3A = arith.constant 0 : i32
      %ne3A_202 = vector.broadcast %ne3A : i32 to vector<16xi32>
      %ne3A_203 = arith.cmpi ne, %get3A_201, %ne3A_202 : vector<16xi32>
      %broadcast_in_dim3A = arith.constant 1.000000e+00 : f32
      %broadcast_in_dim3A_204 = vector.broadcast %broadcast_in_dim3A : f32 to vector<16xf32>
      %broadcast_in_dim3A_205 = arith.constant 0.000000e+00 : f32
      %broadcast_in_dim3A_206 = vector.broadcast %broadcast_in_dim3A_205 : f32 to vector<16xf32>
      %select_n3A = arith.select %ne3A_203, %broadcast_in_dim3A_204, %broadcast_in_dim3A_206 : vector<16xi1>, vector<16xf32>
      %mul3A_207 = arith.constant 16 : i32
      %mul3A_208 = arith.muli %scan3A_197, %mul3A_207 : i32
      %swap3A = arith.index_cast %mul3A_208 : i32 to index
      %swap3A_209 = tpu.vector_load %arg11[%swap3A] {strides = array<i32>} : memref<1280xf32, #tpu.memory_space<vmem>>, vector<16xf32>,
      %swap3A_210 = vector.shape_cast %swap3A_209 : vector<16xf32> to vector<16xf32>
      %swap3A_211 = vector.shape_cast %select_n3A : vector<16xf32> to vector<16xf32>
      tpu.vector_store %arg11[%swap3A], %swap3A_211 {strides = array<i32>} : memref<1280xf32, #tpu.memory_space<vmem>>, vector<16xf32>,
    }
    %scan3A_190 = arith.constant 80 : i32
    %dma_wait3A_191 = arith.constant 0 : i32
    %dma_wait3A_192 = arith.constant 0 : i32
    %dma_wait3A_193 = tpu.memref_slice %arg3[%dma_wait3A_191, %dma_wait3A_192] : memref<1000000x32xf32, #tpu.memory_space<hbm>> -> memref<1280x32xf32, #tpu.memory_space<hbm>>
    %dma_wait3A_194 = arith.constant 0 : i32
    %dma_wait3A_195 = arith.constant 0 : i32
    %dma_wait3A_196 = tpu.memref_slice %arg3[%dma_wait3A_194, %dma_wait3A_195] : memref<1000000x32xf32, #tpu.memory_space<hbm>> -> memref<1280x32xf32, #tpu.memory_space<hbm>>
    tpu.wait_dma2 semaphore(%arg13 : memref<!tpu.dma_semaphore, #tpu.memory_space<semaphore_mem>>) src(%dma_wait3A_196 : memref<1280x32xf32, #tpu.memory_space<hbm>>) dst(%arg9 : memref<1280x32xf32, #tpu.memory_space<vmem>>)
    "tpu.region"() ({
      %run_scoped3A = tpu.sem_alloc : memref<!tpu.dma_semaphore, #tpu.memory_space<semaphore_mem>>
      %dma_start3A_197 = arith.constant 0 : i32
      %dma_start3A_198 = tpu.memref_slice %arg4[%add3A_184, %dma_start3A_197] : memref<819200x32xf32, #tpu.memory_space<hbm>> -> memref<1280x32xf32, #tpu.memory_space<hbm>>
      %dma_start3A_199 = arith.constant 0 : i32
      %dma_start3A_200 = tpu.memref_slice %arg4[%add3A_184, %dma_start3A_199] : memref<819200x32xf32, #tpu.memory_space<hbm>> -> memref<1280x32xf32, #tpu.memory_space<hbm>>
      tpu.enqueue_dma source(%arg9 : memref<1280x32xf32, #tpu.memory_space<vmem>>) target(%dma_start3A_200 : memref<1280x32xf32, #tpu.memory_space<hbm>>) target_semaphore(%run_scoped3A : memref<!tpu.dma_semaphore, #tpu.memory_space<semaphore_mem>>)
      %dma_wait3A_201 = arith.constant 0 : i32
      %dma_wait3A_202 = tpu.memref_slice %arg4[%add3A_184, %dma_wait3A_201] : memref<819200x32xf32, #tpu.memory_space<hbm>> -> memref<1280x32xf32, #tpu.memory_space<hbm>>
      %dma_wait3A_203 = arith.constant 0 : i32
      %dma_wait3A_204 = tpu.memref_slice %arg4[%add3A_184, %dma_wait3A_203] : memref<819200x32xf32, #tpu.memory_space<hbm>> -> memref<1280x32xf32, #tpu.memory_space<hbm>>
      tpu.wait_dma2 semaphore(%run_scoped3A : memref<!tpu.dma_semaphore, #tpu.memory_space<semaphore_mem>>) src(%arg9 : memref<1280x32xf32, #tpu.memory_space<vmem>>) dst(%dma_wait3A_204 : memref<1280x32xf32, #tpu.memory_space<hbm>>)
      tpu.yield
    }) : () -> ()
    "tpu.region"() ({
      %run_scoped3A = tpu.sem_alloc : memref<!tpu.dma_semaphore, #tpu.memory_space<semaphore_mem>>
      %dma_start3A_197 = tpu.memref_slice %arg5[%add3A_184] : memref<819200xf32, #tpu.memory_space<hbm>> -> memref<1280xf32, #tpu.memory_space<hbm>>
      %dma_start3A_198 = tpu.memref_slice %arg5[%add3A_184] : memref<819200xf32, #tpu.memory_space<hbm>> -> memref<1280xf32, #tpu.memory_space<hbm>>
      tpu.enqueue_dma source(%arg11 : memref<1280xf32, #tpu.memory_space<vmem>>) target(%dma_start3A_198 : memref<1280xf32, #tpu.memory_space<hbm>>) target_semaphore(%run_scoped3A : memref<!tpu.dma_semaphore, #tpu.memory_space<semaphore_mem>>)
      %dma_wait3A_199 = tpu.memref_slice %arg5[%add3A_184] : memref<819200xf32, #tpu.memory_space<hbm>> -> memref<1280xf32, #tpu.memory_space<hbm>>
      %dma_wait3A_200 = tpu.memref_slice %arg5[%add3A_184] : memref<819200xf32, #tpu.memory_space<hbm>> -> memref<1280xf32, #tpu.memory_space<hbm>>
      tpu.wait_dma2 semaphore(%run_scoped3A : memref<!tpu.dma_semaphore, #tpu.memory_space<semaphore_mem>>) src(%arg11 : memref<1280xf32, #tpu.memory_space<vmem>>) dst(%dma_wait3A_200 : memref<1280xf32, #tpu.memory_space<hbm>>)
      tpu.yield
    }) : () -> ()
    return
  }
}

</mosaic_0001>

<sc_bundles>
// kernel: _impl.3.cloned.1.call-start
scs
__scs_entry_jumppad:
0x0: {  	(pc) =	sbr.rel $0x88, $3  }
0x1: {  	(tag) =	ssettag $0x0;
	lr =	simm.s32 $0x1  }
0x2: {  	[smem:$0x3F9F] =	sst lr;
	_ =	strace $0xD0000000  }
0x3: {  	_ = 	snop  }
0x4: {  	_ = 	snop  }
0x5: {  	_ = 	snop  }
0x6: {  	_ = 	snop  }
0x7: {  	_ = 	snop  }
__scs_overlays_trampoline_lowered:
0x8: {  	[smem:$0x3FAE] =	sst s0  }
0x9: {  	[smem:$0x3FAF] =	sst s1  }
0xa: {  	[smem:$0x3FB0] =	sst s2  }
0xb: {  	[smem:$0x3FB1] =	sst s3  }
0xc: {  	[smem:$0x3FB2] =	sst s4  }
0xd: {  	[smem:$0x3FB3] =	sst s5  }
0xe: {  	[smem:$0x3FB4] =	sst s6  }
0xf: {  	[smem:$0x3FB5] =	sst s7  }
0x10: {  	[smem:$0x3FB6] =	sst s8  }
0x11: {  	[smem:$0x3FB7] =	sst s9;
	s0 =	simm.s32 @!p0 $0x0  }
0x12: {  	s1 =	sld [smem:$0x3F9D];
	s0 =	simm.s32 @p0 $0x1  }
0x13: {  	[smem:$0x3FB8] =	sst s0;
	s0 =	simm.s32 @!p1 $0x0  }
0x14: {  	s2 =	sld [smem:$0x3F9C];
	s0 =	simm.s32 @p1 $0x1  }
0x15: {  	[smem:$0x3FB9] =	sst s0;
	s0 =	simm.s32 @!p2 $0x0  }
0x16: {  	s3 =	sld [smem:$0x3FDB];
	s0 =	simm.s32 @p2 $0x1  }
0x17: {  	s4 =	simm.s32 $0x1BF5;
	[smem:$0x3FBB] =	sst s0  }
0x18: {  	s0 =	sld [smem:$0x3F9E];
	_ =	swait.ge [sflag:s4], $0x0  }
0x19: {  	s7 =	sld [smem:$0x3F9F]  }
0x1a: {  	s8 =	sadd.s32 $0xFFFFE003, lr  }
0x1b: {  	s9 =	sadd.s32 $0xFFFFFEF7, lr;
	s5 =	simm.s32 $0xFFFFFFFF;
	p2 =	slt.u32 s8, $0xFFFFF086  }
0x1c: {  	p1 =	slt.u32 s9, $0xF7A;
	s5 =	simm.s32 @!p2 $0x0  }
0x1d: {  	s5 =	simm.s32 @p1 $0x1;
	p0 =	seq.s32 s7, s2  }
0x1e: {  	s7 =	smul.u32 @!p0 $0xF7A, s2;
	p2 =	seq.s32 @!p0 s5, $0x0  }
0x1f: {  	s9 =	smul.u32 $0xF7A, s1;
	s8 =	simm.s32 @!p0 $0x1BF5;
	p2 =	por !p2, p0  }
0x20: {  	[sflag:s8] =	ssyncset.s32 @!p0 $0xFFFFF086;
	s6 =	sadd.s32 @!p0 s3, s7;
	s7 =	simm.s32 @!p0 $0x108  }
0x21: {  	s3 =	sadd.s32 s3, s9;
	s6 =	sadd.s32 @!p0 $0x88, s6;
	s7 =	simm.s32 @p2 $0x1082  }
0x22: {  	[simem:s7], [sflag:s8] =	dma.local @!p0 [hbm:s6], $0xF7A  }
0x23: {  	s9 =	sor.u32 $0xD0000000, s2;
	s6 =	simm.s32 $0x108;
	_ =	swait.ge @!p0 [sflag:s8], $0x0  }
0x24: {  	s3 =	sadd.s32 $0x88, s3;
	s6 =	simm.s32 @!p1 $0x1082;
	[sflag:s4] =	ssyncset.s32 $0xFFFFF086  }
0x25: {  	[simem:s6], [sflag:s4] =	dma.local [hbm:s3], $0xF7A  }
0x26: {  	[smem:$0x3F9F] =	sst s1;
	(tag) =	ssettag s2;
	_ =	strace s9  }
0x27: {  	s1 =	sld [smem:$0x3FAF]  }
0x28: {  	s2 =	sld [smem:$0x3FB0]  }
0x29: {  	s4 =	sld [smem:$0x3FB2]  }
0x2a: {  	p0 =	seq.s32 s5, $0x0;
	s5 =	sld [smem:$0x3FB3]  }
0x2b: {  	s6 =	sld [smem:$0x3FB4]  }
0x2c: {  	s7 =	sld [smem:$0x3FB5]  }
0x2d: {  	s3 =	simm.s32 $0x108;
	s8 =	sld [smem:$0x3FB6]  }
0x2e: {  	s3 =	simm.s32 @!p0 $0x1082;
	s9 =	sld [smem:$0x3FB7]  }
0x2f: {  	lr =	sadd.s32 s0, s3;
	s0 =	sld [smem:$0x3FAE]  }
0x30: {  	s3 =	sld [smem:$0x3FB1]  }
0x31: {  	[smem:$0x3FBA] =	sst s10  }
0x32: {  	s10 =	sld [smem:$0x3FB8];
	_ =	sdelay $0x3  }
0x33: {  	p0 =	seq.s32 s10, $0x1;
	s10 =	sld [smem:$0x3FBA];
	_ =	sdelay $0x3  }
0x34: {  	[smem:$0x3FBA] =	sst s10  }
0x35: {  	s10 =	sld [smem:$0x3FB9];
	_ =	sdelay $0x3  }
0x36: {  	p1 =	seq.s32 s10, $0x1;
	s10 =	sld [smem:$0x3FBA];
	_ =	sdelay $0x3  }
0x37: {  	[smem:$0x3FBA] =	sst s10  }
0x38: {  	s10 =	sld [smem:$0x3FBB]  }
0x39: {  	_ = 	snop;
	(pc) =	sbr.ind lr, $3  }
0x3a: {  	_ = 	snop  }
0x3b: {  	_ = 	snop  }
0x3c: {  	p2 =	seq.s32 s10, $0x1;
	s10 =	sld [smem:$0x3FBA]  }
0x3d: {  	_ =	shalt  }
0x3e: {  	_ =	shalt  }
0x3f: {  	_ =	shalt  }
0x40: {  	_ =	shalt  }
0x41: {  	_ =	shalt  }
0x42: {  	_ =	shalt  }
0x43: {  	_ =	shalt  }
0x44: {  	_ =	shalt  }
0x45: {  	_ =	shalt  }
0x46: {  	_ =	shalt  }
0x47: {  	_ =	shalt  }
0x48: {  	_ =	shalt  }
0x49: {  	_ =	shalt  }
0x4a: {  	_ =	shalt  }
0x4b: {  	_ =	shalt  }
0x4c: {  	_ =	shalt  }
0x4d: {  	_ =	shalt  }
0x4e: {  	_ =	shalt  }
0x4f: {  	_ =	shalt  }
0x50: {  	_ =	shalt  }
0x51: {  	_ =	shalt  }
0x52: {  	_ =	shalt  }
0x53: {  	_ =	shalt  }
0x54: {  	_ =	shalt  }
0x55: {  	_ =	shalt  }
0x56: {  	_ =	shalt  }
0x57: {  	_ =	shalt  }
0x58: {  	_ =	shalt  }
0x59: {  	_ =	shalt  }
0x5a: {  	_ =	shalt  }
0x5b: {  	_ =	shalt  }
0x5c: {  	_ =	shalt  }
0x5d: {  	_ =	shalt  }
0x5e: {  	_ =	shalt  }
0x5f: {  	_ =	shalt  }
0x60: {  	_ =	shalt  }
0x61: {  	_ =	shalt  }
0x62: {  	_ =	shalt  }
0x63: {  	_ =	shalt  }
0x64: {  	_ =	shalt  }
0x65: {  	_ =	shalt  }
0x66: {  	_ =	shalt  }
0x67: {  	_ =	shalt  }
0x68: {  	_ =	shalt  }
0x69: {  	_ =	shalt  }
0x6a: {  	_ =	shalt  }
0x6b: {  	_ =	shalt  }
0x6c: {  	_ =	shalt  }
0x6d: {  	_ =	shalt  }
0x6e: {  	_ =	shalt  }
0x6f: {  	_ =	shalt  }
0x70: {  	_ =	shalt  }
0x71: {  	_ =	shalt  }
0x72: {  	_ =	shalt  }
0x73: {  	_ =	shalt  }
0x74: {  	_ =	shalt  }
0x75: {  	_ =	shalt  }
0x76: {  	_ =	shalt  }
0x77: {  	_ =	shalt  }
0x78: {  	_ =	shalt  }
0x79: {  	_ =	shalt  }
0x7a: {  	_ =	shalt  }
0x7b: {  	_ =	shalt  }
0x7c: {  	_ =	shalt  }
0x7d: {  	_ =	shalt  }
0x7e: {  	_ =	shalt  }
0x7f: {  	_ =	shalt  }
0x80: {  	_ =	shalt  }
0x81: {  	_ =	shalt  }
0x82: {  	_ =	shalt  }
0x83: {  	_ =	shalt  }
0x84: {  	_ =	shalt  }
0x85: {  	_ =	shalt  }
0x86: {  	_ =	shalt  }
0x87: {  	_ =	shalt  }
.Lfunc_end0:
.L_simem_size_0:
called_computation.1_lowered:
.L_overlay_start_0:
0x88: {  	s2 =	sld [smem:$0x3FD9]  }
0x89: {  	s3 =	sld [smem:$0x3FFE];
	_ =	sdelay $0x1  }
0x8a: {  	s1 =	srdreg.scid  }
0x8b: {  	s0 =	sand.u32 $0x1, s1  }
0x8c: {  	s14 =	sshll.u32 s0, $0xA;
	s2 =	sadd.s32 s3, s2  }
0x8d: {  	s2 =	sadd.s32 s2, s14  }
0x8e: {  	[smem:$0x3FC6] =	sst s2  }
0x8f: {  	_ = 	snop  }
0x90: {  	s2 =	sld [smem:$0x3FD0];
	_ =	sdelay $0x2  }
0x91: {  	s15 =	simm.s32 $0xA;
	s4 =	simm.s32 $0x10  }
0x92: {  	[smem:s4], [sflag:s15] =	dma.local [hbm:s2], $0x1  }
0x93: {  	_ =	swait.eq [sflag:s15], $0x1  }
0x94: {  	[sflag:s15] =	ssyncset.done $0x0  }
0x95: {  	s16 =	sld [smem:$0x10];
	[sflag:s15] =	ssyncadd.s32 $0xFFFFFFFF  }
0x96: {  	s17 =	sld [smem:$0x11];
	(tm) =	ssettm $0x1  }
0x97: {  	s18 =	sld [smem:$0x3FFB];
	_ =	sdelay $0x3  }
0x98: {  	_ =	strace s18  }
0x99: {  	s4 =	sld [smem:$0x3FFC];
	_ =	sdelay $0x3  }
0x9a: {  	_ =	strace s4  }
0x9b: {  	s4 =	sld [smem:$0x3FFD];
	_ =	sdelay $0x3  }
0x9c: {  	_ =	strace s4  }
0x9d: {  	_ =	strace $0x8FFFFFFF  }
0x9e: {  	s19 =	sld [smem:$0x3FDB];
	_ =	sdelay $0x1  }
0x9f: {  	s5 =	simm.s32 $_scs_section_size  }
0xa0: {  	s6 =	simm.s32 $_size__tile_overlayer_lowered;
	s7 =	simm.s32 $_tile_overlayer_lowered  }
0xa1: {  	s22 =	simm.s32 $0x1BFF;
	s21 =	sshll.u32 s7, $0x1;
	s4 =	sadd.s32 s5, s19  }
0xa2: {  	s8 =	simm.s32 $0x0;
	s20 =	sshll.u32 s6, $0x1;
	s6 =	sadd.s32 s21, s4  }
0xa3: {  	[timem:s8], [sflag:s22] =	dma.local [hbm:s6], s20  }
0xa4: {  	_ =	swait.ge [sflag:s22], s20  }
0xa5: {  	s5 =	ssub.s32 $0x0, s20;
	[sflag:s22] =	ssyncset.done $0x0  }
0xa6: {  	[sflag:s22] =	ssyncadd.s32 s5;
	_ =	sdelay $0x1  }
0xa7: {  	s23 =	simm.s32 $0x1B8B  }
0xa8: {  	_ =	swait.ge [sflag:s23], $0x1  }
0xa9: {  	[sflag:s23] =	ssyncset.done $0x0  }
0xaa: {  	s25 =	simm.s32 $0x1B8E;
	s24 =	sld [smem:$0x3FFE];
	[sflag:s23] =	ssyncadd.s32 $0xFFFFFFFF  }
0xab: {  	s26 =	simm.s32 $execute0_lowered;
	[smem:$0x3FD2] =	sst s25  }
0xac: {  	s6 =	sshll.u32 s26, $0x1;
	_ =	strace $0x80000046;
	[dreg:$0x1] =	wrdreg $0xFFFFFFFF  }
0xad: {  	s28 =	simm.s32 $_size_execute0_lowered;
	s4 =	sadd.s32 s4, s6;
	[dreg:$0x0] =	wrdreg $0x0  }
0xae: {  	s6 =	sshll.u32 s28, $0x1;
	[dreg:$0x2] =	wrdreg s4  }
0xaf: {  	[dreg:$0x3] =	wrdreg s6  }
0xb0: {  	[dreg:$0x4] =	wrdreg $0xC0  }
0xb1: {  	_ =	task [dreg:s8], $0x5FFFF  }
0xb2: {  	[dreg:$0x1] =	wrdreg $0xFFFFFFFF  }
0xb3: {  	[dreg:$0x0] =	wrdreg $0x60  }
0xb4: {  	[dreg:$0x2] =	wrdreg s17  }
0xb5: {  	[dreg:$0x3] =	wrdreg s24  }
0xb6: {  	[dreg:$0x4] =	wrdreg s16  }
0xb7: {  	[dreg:$0x5] =	wrdreg $0x9  }
0xb8: {  	_ =	task.clear_ibuf [dreg:s8], $0x6FFFF;
	_ =	strace $0x90000046  }
0xb9: {  	s29 =	simm.s32 $0x9;
	_ =	strace $0x80000048  }
0xba: {  	_ =	swait.ge [sflag:s29], $0x1  }
0xbb: {  	[sflag:s29] =	ssyncadd.s32 $0xFFFFFFFF  }
0xbc: {  	_ =	strace $0x90000048  }
0xbd: {  	_ =	sfence  }
0xbe: {  	s30 =	sld [smem:$0x0];
	_ =	sdelay $0x2  }
0xbf: {  	s31 =	sshll.u32 s1, $0xD;
	s1 =	sshrl.u32 s1, $0x2  }
0xc0: {  	s3 =	sand.u32 $0x4000, s31;
	s1 =	sadd.s32 s1, s30  }
0xc1: {  	s0 =	sor.u32 s3, s0;
	s1 =	sshll.u32 s1, $0x11  }
0xc2: {  	s0 =	sor.u32 s1, s0  }
0xc3: {  	s0 =	sadd.s32 $0x8F2B, s0  }
0xc4: {  	[sflag:s0] =	ssyncadd.remote.s32 $0x1  }
0xc5: {  	_ =	sfence.sel $0xFFFF  }
0xc6: {  	[dreg:$0x0] =	wrdreg $0xFFFFFFFF;
	(pc) =	sbr.abs _section_cstart, $3  }
0xc7: {  	[dreg:$0x1] =	wrdreg $0xFFFFFFFF  }
0xc8: {  	_ =	task.clear_ibuf [dreg:s8], $0x2FFFF;
	_ =	strace $0x9FFFFFFF  }
0xc9: {  	(tm) =	ssettm $0x7FFFFFFF  }
tec
execute0_lowered:
.L_overlay_start_1:
0x0: {  	(tag) =	ssettag $0x1  }
0x1: {  	s1 =	rddreg [dreg:$0x0]  }
0x2: {  	s0 =	rddreg [dreg:$0x1];
	s2 =	srdreg.scid  }
0x3: {  	s4 =	stileid.u32;
	s3 =	rddreg [dreg:$0x2];
	s17 =	simm.s32 $0x3  }
0x4: {  	s18 =	simm.s32 $0x80;
	s19 =	simm.s32 $0xA00;
	s14 =	simm.s32 $0x500  }
0x5: {  	s15 =	simm.s32 $0xAA00;
	s31 =	simm.s32 $0x10A00;
	s13 =	simm.s32 $0x13A00  }
0x6: {  	s16 =	simm.s32 $0x1;
	s20 =	simm.s32 $0x14A00;
	s21 =	simm.s32 $0x2  }
0x7: {  	s22 =	simm.s32 $0x14F00;
	s2 =	sand.u32 $0x1, s2;
	s5 =	sshll.u32 s4, $0x1  }
0x8: {  	s4 =	simm.s32 $0x0;
	s6 =	sadd.s32 $0xF43400, s0;
	s5 =	sor.u32 s2, s5  }
0x9: {  	[smem:$0x7FF] =	sst s4;
	s2 =	ssub.s32 $0x2, s2;
	s5 =	smul.u32 $0x6400, s5  }
0xa: {  	s7 =	sadd.s32 $0x1000, s0;
	_ =	strace $0x80000047;
	s8 =	sshrl.u32 s2, $0x1  }
0xb: {  	s24 =	ssub.s32 s2, s8;
	s8 =	simm.s32 $0x900;
	s25 =	sshrl.u32 s5, $0x3  }
0xc: {  	s9 =	sadd.s32 $0x500, s5;
	s26 =	sadd.s32 $0x5F00, s5;
	s10 =	sadd.s32 $0xA00, s5  }
0xd: {  	s11 =	sadd.s32 $0x5A00, s5;
	s0 =	smax.u32 s24, $0x1;
	s2 =	sadd.s32 s1, s25  }
0xe: {  	s28 =	sshrl.u32 s26, $0x3;
	s29 =	sshll.u32 s11, $0x2;
	[dreg:$0xa] =	wrdreg s0  }
0xf: {  	s11 =	sshrl.u32 s11, $0x3;
	[dreg:$0x4] =	wrdreg s2;
	s12 =	sadd.s32 s1, s28  }
0x10: {  	s24 =	simm.s32 $0x0;
	s11 =	sadd.s32 s7, s11;
	[dreg:$0x5] =	wrdreg s12  }
0x11: {  	s0 =	simm.s32 $0x11A00;
	s30 =	sadd.s32 s7, s28;
	[dreg:$0x7] =	wrdreg s11  }
0x12: {  	s2 =	sshll.u32 s26, $0x2;
	s12 =	sadd.s32 s3, s29;
	[dreg:$0x9] =	wrdreg s30  }
0x13: {  	s2 =	sadd.s32 s3, s2;
	s11 =	simm.s32 $0x12A00;
	[dreg:$0x6] =	wrdreg s12  }
0x14: {  	v0 =	vimm.f32 $1.000000000e+00;
	[dreg:$0x8] =	wrdreg s2;
	s2 =	simm.s32 $0x880;
	s12 =	simm.s32 $0x980  }
.LBB2_1:
0x15: {  	[dreg:$0xb] =	wrdreg s24  }
0x16: {  	s23 =	rddreg [dreg:$0x4]  }
0x17: {  	[tilespmem:s4], [sflag:$0x3] =	stream.linear.gather [hbm4b:s23+s4], $0x500, $0x38;
	[tilespmem:$0x15400] =	vst v63  }
0x18: {  	_ =	swait.ge [sflag:s17], $0x500  }
0x19: {  	[sflag:s17] =	ssyncset.done $0x0  }
0x1a: {  	[sflag:s17] =	ssyncadd.s32 $0xFFFFFB00  }
0x1b: {  	[tilespmem:s19], [sflag:$0x1] =	stream.indirect.gather [hbm4b:s6+s18], $0x20, s4, s18, $0xb8;
	[tilespmem:$0x15400] =	vst v63  }
0x1c: {  	s25 =	simm.s32 $0x1A00  }
0x1d: {  	[tilespmem:s25], [sflag:$0x1] =	stream.indirect.gather [hbm4b:s6+s18], $0x20, s18, s18, $0xb8;
	[tilespmem:$0x15400] =	vst v63  }
0x1e: {  	s26 =	simm.s32 $0x100;
	s28 =	simm.s32 $0x2A00  }
0x1f: {  	[tilespmem:s28], [sflag:$0x1] =	stream.indirect.gather [hbm4b:s6+s18], $0x20, s26, s18, $0xb8;
	[tilespmem:$0x15400] =	vst v63  }
0x20: {  	s29 =	simm.s32 $0x180;
	s30 =	simm.s32 $0x3A00  }
0x21: {  	[tilespmem:s30], [sflag:$0x1] =	stream.indirect.gather [hbm4b:s6+s18], $0x20, s29, s18, $0xb8;
	[tilespmem:$0x15400] =	vst v63  }
0x22: {  	s24 =	simm.s32 $0x200;
	s25 =	simm.s32 $0x4A00  }
0x23: {  	[tilespmem:s25], [sflag:$0x1] =	stream.indirect.gather [hbm4b:s6+s18], $0x20, s24, s18, $0xb8;
	[tilespmem:$0x15400] =	vst v63  }
0x24: {  	s26 =	simm.s32 $0x280;
	s28 =	simm.s32 $0x5A00  }
0x25: {  	[tilespmem:s28], [sflag:$0x1] =	stream.indirect.gather [hbm4b:s6+s18], $0x20, s26, s18, $0xb8;
	[tilespmem:$0x15400] =	vst v63  }
0x26: {  	s29 =	simm.s32 $0x300;
	s30 =	simm.s32 $0x6A00  }
0x27: {  	[tilespmem:s30], [sflag:$0x1] =	stream.indirect.gather [hbm4b:s6+s18], $0x20, s29, s18, $0xb8;
	[tilespmem:$0x15400] =	vst v63  }
0x28: {  	s24 =	simm.s32 $0x380;
	s25 =	simm.s32 $0x7A00  }
0x29: {  	[tilespmem:s25], [sflag:$0x1] =	stream.indirect.gather [hbm4b:s6+s18], $0x20, s24, s18, $0xb8;
	[tilespmem:$0x15400] =	vst v63  }
0x2a: {  	s26 =	simm.s32 $0x400;
	s28 =	simm.s32 $0x8A00  }
0x2b: {  	[tilespmem:s28], [sflag:$0x1] =	stream.indirect.gather [hbm4b:s6+s18], $0x20, s26, s18, $0xb8;
	[tilespmem:$0x15400] =	vst v63  }
0x2c: {  	s23 =	simm.s32 $0x0;
	s29 =	simm.s32 $0x480;
	s30 =	simm.s32 $0x9A00  }
0x2d: {  	[tilespmem:s30], [sflag:$0x1] =	stream.indirect.gather [hbm4b:s6+s18], $0x20, s29, s18, $0xb8;
	[tilespmem:$0x15400] =	vst v63  }
.LBB2_2:
0x2e: {  	s26 =	smul.u32 $0xA00, s23;
	_ =	sdelay $0x1  }
0x2f: {  	s25 =	sadd.s32 s26, s9  }
0x30: {  	s24 =	sshrl.u32 s25, $0x3  }
0x31: {  	s29 =	simm.s32 $0x0;
	s28 =	sadd.s32 s1, s24  }
0x32: {  	[tilespmem:s14], [sflag:$0x3] =	stream.linear.gather [hbm4b:s28+s29], $0x500, $0x38;
	[tilespmem:$0x15400] =	vst v63  }
0x33: {  	_ =	swait.ge [sflag:s17], $0x500  }
0x34: {  	[sflag:s17] =	ssyncset.done $0x0  }
0x35: {  	[sflag:s17] =	ssyncadd.s32 $0xFFFFFB00  }
0x36: {  	[tilespmem:s15], [sflag:$0x2] =	stream.indirect.gather [hbm4b:s6+s18], $0x20, s14, s18, $0xb8;
	[tilespmem:$0x15400] =	vst v63  }
0x37: {  	s28 =	simm.s32 $0x580;
	s29 =	simm.s32 $0xBA00  }
0x38: {  	[tilespmem:s29], [sflag:$0x2] =	stream.indirect.gather [hbm4b:s6+s18], $0x20, s28, s18, $0xb8;
	[tilespmem:$0x15400] =	vst v63  }
0x39: {  	s28 =	simm.s32 $0x600;
	s29 =	simm.s32 $0xCA00  }
0x3a: {  	[tilespmem:s29], [sflag:$0x2] =	stream.indirect.gather [hbm4b:s6+s18], $0x20, s28, s18, $0xb8;
	[tilespmem:$0x15400] =	vst v63  }
0x3b: {  	s28 =	simm.s32 $0x680;
	s29 =	simm.s32 $0xDA00  }
0x3c: {  	[tilespmem:s29], [sflag:$0x2] =	stream.indirect.gather [hbm4b:s6+s18], $0x20, s28, s18, $0xb8;
	[tilespmem:$0x15400] =	vst v63  }
0x3d: {  	s28 =	simm.s32 $0x700;
	s29 =	simm.s32 $0xEA00  }
0x3e: {  	[tilespmem:s29], [sflag:$0x2] =	stream.indirect.gather [hbm4b:s6+s18], $0x20, s28, s18, $0xb8;
	[tilespmem:$0x15400] =	vst v63  }
0x3f: {  	s28 =	simm.s32 $0x780;
	s29 =	simm.s32 $0xFA00  }
0x40: {  	[tilespmem:s29], [sflag:$0x2] =	stream.indirect.gather [hbm4b:s6+s18], $0x20, s28, s18, $0xb8;
	[tilespmem:$0x15400] =	vst v63  }
0x41: {  	s28 =	simm.s32 $0x800  }
0x42: {  	[tilespmem:s31], [sflag:$0x2] =	stream.indirect.gather [hbm4b:s6+s18], $0x20, s28, s18, $0xb8;
	[tilespmem:$0x15400] =	vst v63  }
0x43: {  	_ = 	snop  }
0x44: {  	[tilespmem:s0], [sflag:$0x2] =	stream.indirect.gather [hbm4b:s6+s18], $0x20, s2, s18, $0xb8;
	[tilespmem:$0x15400] =	vst v63  }
0x45: {  	_ = 	snop  }
0x46: {  	[tilespmem:s11], [sflag:$0x2] =	stream.indirect.gather [hbm4b:s6+s18], $0x20, s8, s18, $0xb8;
	[tilespmem:$0x15400] =	vst v63  }
0x47: {  	s28 =	simm.s32 $0x0  }
0x48: {  	[tilespmem:s13], [sflag:$0x2] =	stream.indirect.gather [hbm4b:s6+s18], $0x20, s12, s18, $0xb8;
	[tilespmem:$0x15400] =	vst v63  }
0x49: {  	v1 =	vld [tilespmem:s28+$0x0]  }
0x4a: {  	s29 =	simm.s32 $0x40  }
.LBB2_3:
0x4b: {  	p0 =	sne.s32 s29, $0x13C0  }
.Ltmp0:
0x4c: {  	_ = 	snop;
	(pc) =	sbr.rel @p0 .LBB2_3-.Ltmp0, $4  }
0x4d: {  	_ = 	snop  }
0x4e: {  	s30 =	sshra.s32 s29, $0x2;
	s29 =	sadd.s32 $0x40, s29;
	vm0 =	veq.s32 v1, $0x0  }
0x4f: {  	v1 =	vld [tilespmem:s30+$0x0];
	v2 =	vsel vm0, $0x0, v0  }
0x50: {  	[tilespmem:s28+$0x14A00] =	vst v2;
	s28 =	smov.u32 s30  }
0x51: {  	_ =	sdelay $0x2  }
0x52: {  	vm0 =	veq.s32 v1, $0x0  }
0x53: {  	v1 =	vsel vm0, $0x0, v0  }
0x54: {  	[tilespmem:s28+$0x14A00] =	vst v1  }
0x55: {  	s28 =	sadd.s32 s5, s26;
	_ =	swait.ge [sflag:s16], $0xA000  }
0x56: {  	s29 =	sshll.u32 s28, $0x2;
	[sflag:s16] =	ssyncset.done $0x0  }
0x57: {  	s30 =	simm.s32 $0x0;
	s29 =	sadd.s32 s3, s29;
	[sflag:s16] =	ssyncadd.s32 $0xFFFF6000  }
0x58: {  	[hbm4b:s29+s30] =	stream.linear.scatter [tilespmem:s19], [sflag:$0x3], $0xA000, $0x38;
	[tilespmem:$0x15400] =	vst v63  }
0x59: {  	_ =	swait.ge [sflag:s17], $0xA000  }
0x5a: {  	s28 =	sshrl.u32 s28, $0x3;
	[sflag:s17] =	ssyncset.done $0x0  }
0x5b: {  	s28 =	sadd.s32 s7, s28;
	[sflag:s17] =	ssyncadd.s32 $0xFFFF6000  }
0x5c: {  	[hbm4b:s28+s30] =	stream.linear.scatter [tilespmem:s20], [sflag:$0x3], $0x500, $0x38;
	[tilespmem:$0x15400] =	vst v63  }
0x5d: {  	s29 =	sadd.s32 s26, s10;
	_ =	swait.ge [sflag:s17], $0x500  }
0x5e: {  	s26 =	sshrl.u32 s29, $0x3;
	[sflag:s17] =	ssyncset.done $0x0  }
0x5f: {  	s26 =	sadd.s32 s1, s26;
	[sflag:s17] =	ssyncadd.s32 $0xFFFFFB00  }
0x60: {  	[tilespmem:s30], [sflag:$0x3] =	stream.linear.gather [hbm4b:s26+s30], $0x500, $0x38;
	[tilespmem:$0x15400] =	vst v63  }
0x61: {  	_ =	swait.ge [sflag:s17], $0x500  }
0x62: {  	[sflag:s17] =	ssyncset.done $0x0  }
0x63: {  	[sflag:s17] =	ssyncadd.s32 $0xFFFFFB00  }
0x64: {  	[tilespmem:s19], [sflag:$0x1] =	stream.indirect.gather [hbm4b:s6+s18], $0x20, s30, s18, $0xb8;
	[tilespmem:$0x15400] =	vst v63  }
0x65: {  	s30 =	simm.s32 $0x1A00  }
0x66: {  	[tilespmem:s30], [sflag:$0x1] =	stream.indirect.gather [hbm4b:s6+s18], $0x20, s18, s18, $0xb8;
	[tilespmem:$0x15400] =	vst v63  }
0x67: {  	s29 =	simm.s32 $0x100;
	s28 =	simm.s32 $0x2A00  }
0x68: {  	[tilespmem:s28], [sflag:$0x1] =	stream.indirect.gather [hbm4b:s6+s18], $0x20, s29, s18, $0xb8;
	[tilespmem:$0x15400] =	vst v63  }
0x69: {  	s30 =	simm.s32 $0x180;
	s28 =	simm.s32 $0x3A00  }
0x6a: {  	[tilespmem:s28], [sflag:$0x1] =	stream.indirect.gather [hbm4b:s6+s18], $0x20, s30, s18, $0xb8;
	[tilespmem:$0x15400] =	vst v63  }
0x6b: {  	s29 =	simm.s32 $0x200;
	s28 =	simm.s32 $0x4A00  }
0x6c: {  	[tilespmem:s28], [sflag:$0x1] =	stream.indirect.gather [hbm4b:s6+s18], $0x20, s29, s18, $0xb8;
	[tilespmem:$0x15400] =	vst v63  }
0x6d: {  	s30 =	simm.s32 $0x280;
	s28 =	simm.s32 $0x5A00  }
0x6e: {  	[tilespmem:s28], [sflag:$0x1] =	stream.indirect.gather [hbm4b:s6+s18], $0x20, s30, s18, $0xb8;
	[tilespmem:$0x15400] =	vst v63  }
0x6f: {  	s29 =	simm.s32 $0x300;
	s28 =	simm.s32 $0x6A00  }
0x70: {  	[tilespmem:s28], [sflag:$0x1] =	stream.indirect.gather [hbm4b:s6+s18], $0x20, s29, s18, $0xb8;
	[tilespmem:$0x15400] =	vst v63  }
0x71: {  	s30 =	simm.s32 $0x380;
	s28 =	simm.s32 $0x7A00  }
0x72: {  	[tilespmem:s28], [sflag:$0x1] =	stream.indirect.gather [hbm4b:s6+s18], $0x20, s30, s18, $0xb8;
	[tilespmem:$0x15400] =	vst v63  }
0x73: {  	s29 =	simm.s32 $0x400;
	s28 =	simm.s32 $0x8A00  }
0x74: {  	[tilespmem:s28], [sflag:$0x1] =	stream.indirect.gather [hbm4b:s6+s18], $0x20, s29, s18, $0xb8;
	[tilespmem:$0x15400] =	vst v63  }
0x75: {  	s26 =	simm.s32 $0x0;
	s30 =	simm.s32 $0x480;
	s28 =	simm.s32 $0x9A00  }
0x76: {  	[tilespmem:s28], [sflag:$0x1] =	stream.indirect.gather [hbm4b:s6+s18], $0x20, s30, s18, $0xb8;
	[tilespmem:$0x15400] =	vst v63  }
0x77: {  	v1 =	vld [tilespmem:s26+$0x500]  }
0x78: {  	s28 =	simm.s32 $0x40  }
.LBB2_5:
0x79: {  	p0 =	sne.s32 s28, $0x13C0  }
.Ltmp1:
0x7a: {  	_ = 	snop;
	(pc) =	sbr.rel @p0 .LBB2_5-.Ltmp1, $4  }
0x7b: {  	_ = 	snop  }
0x7c: {  	s29 =	sshra.s32 s28, $0x2;
	s28 =	sadd.s32 $0x40, s28;
	vm0 =	veq.s32 v1, $0x0  }
0x7d: {  	v1 =	vld [tilespmem:s29+$0x500];
	v2 =	vsel vm0, $0x0, v0  }
0x7e: {  	[tilespmem:s26+$0x14F00] =	vst v2;
	s26 =	smov.u32 s29  }
0x7f: {  	_ =	sdelay $0x2  }
0x80: {  	vm0 =	veq.s32 v1, $0x0  }
0x81: {  	v1 =	vsel vm0, $0x0, v0  }
0x82: {  	[tilespmem:s26+$0x14F00] =	vst v1  }
0x83: {  	s25 =	sshll.u32 s25, $0x2;
	_ =	swait.ge [sflag:s21], $0xA000  }
0x84: {  	s25 =	sand.u32 $0x1FFFFC00, s25;
	[sflag:s21] =	ssyncset.done $0x0  }
0x85: {  	s25 =	sadd.s32 s3, s25;
	[sflag:s21] =	ssyncadd.s32 $0xFFFF6000  }
0x86: {  	[hbm4b:s25+s4] =	stream.linear.scatter [tilespmem:s15], [sflag:$0x3], $0xA000, $0x38;
	[tilespmem:$0x15400] =	vst v63  }
0x87: {  	s23 =	sadd.s32 $0x1, s23;
	_ =	swait.ge [sflag:s17], $0xA000  }
0x88: {  	p0 =	sne.s32 s23, $0x9;
	[sflag:s17] =	ssyncset.done $0x0  }
.Ltmp2:
0x89: {  	s24 =	sadd.s32 s7, s24;
	[sflag:s17] =	ssyncadd.s32 $0xFFFF6000;
	(pc) =	sbr.rel @p0 .LBB2_2-.Ltmp2, $4  }
0x8a: {  	[hbm4b:s24+s4] =	stream.linear.scatter [tilespmem:s22], [sflag:$0x3], $0x500, $0x38;
	[tilespmem:$0x15400] =	vst v63  }
0x8b: {  	_ =	swait.ge [sflag:s17], $0x500  }
0x8c: {  	[sflag:s17] =	ssyncset.done $0x0  }
0x8d: {  	[sflag:s17] =	ssyncadd.s32 $0xFFFFFB00  }
0x8e: {  	s23 =	simm.s32 $0x0;
	s24 =	rddreg [dreg:$0x5]  }
0x8f: {  	[tilespmem:s14], [sflag:$0x3] =	stream.linear.gather [hbm4b:s24+s23], $0x500, $0x38;
	[tilespmem:$0x15400] =	vst v63  }
0x90: {  	_ =	swait.ge [sflag:s17], $0x500  }
0x91: {  	[sflag:s17] =	ssyncset.done $0x0  }
0x92: {  	[sflag:s17] =	ssyncadd.s32 $0xFFFFFB00  }
0x93: {  	[tilespmem:s15], [sflag:$0x2] =	stream.indirect.gather [hbm4b:s6+s18], $0x20, s14, s18, $0xb8;
	[tilespmem:$0x15400] =	vst v63  }
0x94: {  	s25 =	simm.s32 $0xBA00;
	s24 =	simm.s32 $0x580  }
0x95: {  	[tilespmem:s25], [sflag:$0x2] =	stream.indirect.gather [hbm4b:s6+s18], $0x20, s24, s18, $0xb8;
	[tilespmem:$0x15400] =	vst v63  }
0x96: {  	s26 =	simm.s32 $0x600;
	s28 =	simm.s32 $0xCA00  }
0x97: {  	[tilespmem:s28], [sflag:$0x2] =	stream.indirect.gather [hbm4b:s6+s18], $0x20, s26, s18, $0xb8;
	[tilespmem:$0x15400] =	vst v63  }
0x98: {  	s29 =	simm.s32 $0x680;
	s30 =	simm.s32 $0xDA00  }
0x99: {  	[tilespmem:s30], [sflag:$0x2] =	stream.indirect.gather [hbm4b:s6+s18], $0x20, s29, s18, $0xb8;
	[tilespmem:$0x15400] =	vst v63  }
0x9a: {  	s25 =	simm.s32 $0x700;
	s26 =	simm.s32 $0xEA00  }
0x9b: {  	[tilespmem:s26], [sflag:$0x2] =	stream.indirect.gather [hbm4b:s6+s18], $0x20, s25, s18, $0xb8;
	[tilespmem:$0x15400] =	vst v63  }
0x9c: {  	s28 =	simm.s32 $0x780;
	s29 =	simm.s32 $0xFA00  }
0x9d: {  	[tilespmem:s29], [sflag:$0x2] =	stream.indirect.gather [hbm4b:s6+s18], $0x20, s28, s18, $0xb8;
	[tilespmem:$0x15400] =	vst v63  }
0x9e: {  	s30 =	simm.s32 $0x800  }
0x9f: {  	[tilespmem:s31], [sflag:$0x2] =	stream.indirect.gather [hbm4b:s6+s18], $0x20, s30, s18, $0xb8;
	[tilespmem:$0x15400] =	vst v63  }
0xa0: {  	_ = 	snop  }
0xa1: {  	[tilespmem:s0], [sflag:$0x2] =	stream.indirect.gather [hbm4b:s6+s18], $0x20, s2, s18, $0xb8;
	[tilespmem:$0x15400] =	vst v63  }
0xa2: {  	_ = 	snop  }
0xa3: {  	[tilespmem:s11], [sflag:$0x2] =	stream.indirect.gather [hbm4b:s6+s18], $0x20, s8, s18, $0xb8;
	[tilespmem:$0x15400] =	vst v63  }
0xa4: {  	s23 =	simm.s32 $0x0  }
0xa5: {  	[tilespmem:s13], [sflag:$0x2] =	stream.indirect.gather [hbm4b:s6+s18], $0x20, s12, s18, $0xb8;
	[tilespmem:$0x15400] =	vst v63  }
0xa6: {  	v1 =	vld [tilespmem:s23+$0x0]  }
0xa7: {  	s24 =	simm.s32 $0x40  }
.LBB2_8:
0xa8: {  	p0 =	sne.s32 s24, $0x13C0  }
.Ltmp3:
0xa9: {  	_ = 	snop;
	(pc) =	sbr.rel @p0 .LBB2_8-.Ltmp3, $4  }
0xaa: {  	_ = 	snop  }
0xab: {  	s25 =	sshra.s32 s24, $0x2;
	s24 =	sadd.s32 $0x40, s24;
	vm0 =	veq.s32 v1, $0x0  }
0xac: {  	v1 =	vld [tilespmem:s25+$0x0];
	v2 =	vsel vm0, $0x0, v0  }
0xad: {  	[tilespmem:s23+$0x14A00] =	vst v2;
	s23 =	smov.u32 s25  }
0xae: {  	_ =	sdelay $0x2  }
0xaf: {  	vm0 =	veq.s32 v1, $0x0  }
0xb0: {  	v1 =	vsel vm0, $0x0, v0  }
0xb1: {  	[tilespmem:s23+$0x14A00] =	vst v1  }
0xb2: {  	_ =	swait.ge [sflag:s16], $0xA000  }
0xb3: {  	[sflag:s16] =	ssyncset.done $0x0  }
0xb4: {  	s29 =	simm.s32 $0x0;
	s24 =	rddreg [dreg:$0x6];
	[sflag:s16] =	ssyncadd.s32 $0xFFFF6000  }
0xb5: {  	[hbm4b:s24+s29] =	stream.linear.scatter [tilespmem:s19], [sflag:$0x3], $0xA000, $0x38;
	[tilespmem:$0x15400] =	vst v63  }
0xb6: {  	_ =	swait.ge [sflag:s17], $0xA000  }
0xb7: {  	[sflag:s17] =	ssyncset.done $0x0  }
0xb8: {  	s30 =	rddreg [dreg:$0x7];
	[sflag:s17] =	ssyncadd.s32 $0xFFFF6000  }
0xb9: {  	[hbm4b:s30+s29] =	stream.linear.scatter [tilespmem:s20], [sflag:$0x3], $0x500, $0x38;
	[tilespmem:$0x15400] =	vst v63  }
0xba: {  	_ =	swait.ge [sflag:s17], $0x500  }
0xbb: {  	[sflag:s17] =	ssyncset.done $0x0  }
0xbc: {  	s23 =	simm.s32 $0x0;
	[sflag:s17] =	ssyncadd.s32 $0xFFFFFB00  }
0xbd: {  	v1 =	vld [tilespmem:s23+$0x500]  }
0xbe: {  	s24 =	simm.s32 $0x40  }
.LBB2_10:
0xbf: {  	p0 =	sne.s32 s24, $0x13C0  }
.Ltmp4:
0xc0: {  	_ = 	snop;
	(pc) =	sbr.rel @p0 .LBB2_10-.Ltmp4, $4  }
0xc1: {  	_ = 	snop  }
0xc2: {  	s25 =	sshra.s32 s24, $0x2;
	s24 =	sadd.s32 $0x40, s24;
	vm0 =	veq.s32 v1, $0x0  }
0xc3: {  	v1 =	vld [tilespmem:s25+$0x500];
	v2 =	vsel vm0, $0x0, v0  }
0xc4: {  	[tilespmem:s23+$0x14F00] =	vst v2;
	s23 =	smov.u32 s25  }
0xc5: {  	_ =	sdelay $0x2  }
0xc6: {  	vm0 =	veq.s32 v1, $0x0  }
0xc7: {  	v1 =	vsel vm0, $0x0, v0  }
0xc8: {  	[tilespmem:s23+$0x14F00] =	vst v1  }
0xc9: {  	_ =	swait.ge [sflag:s21], $0xA000  }
0xca: {  	[sflag:s21] =	ssyncset.done $0x0  }
0xcb: {  	s28 =	rddreg [dreg:$0x8];
	[sflag:s21] =	ssyncadd.s32 $0xFFFF6000  }
0xcc: {  	[hbm4b:s28+s4] =	stream.linear.scatter [tilespmem:s15], [sflag:$0x3], $0xA000, $0x38;
	[tilespmem:$0x15400] =	vst v63  }
0xcd: {  	_ =	swait.ge [sflag:s17], $0xA000  }
0xce: {  	[sflag:s17] =	ssyncset.done $0x0  }
0xcf: {  	s29 =	rddreg [dreg:$0x9];
	[sflag:s17] =	ssyncadd.s32 $0xFFFF6000  }
0xd0: {  	[hbm4b:s29+s4] =	stream.linear.scatter [tilespmem:s22], [sflag:$0x3], $0x500, $0x38;
	[tilespmem:$0x15400] =	vst v63  }
0xd1: {  	_ =	swait.ge [sflag:s17], $0x500  }
0xd2: {  	s24 =	rddreg [dreg:$0xb]  }
0xd3: {  	s30 =	rddreg [dreg:$0xa];
	s24 =	sadd.s32 $0x1, s24  }
0xd4: {  	p0 =	sne.s32 s24, s30  }
.Ltmp5:
0xd5: {  	_ = 	snop;
	(pc) =	sbr.rel @p0 .LBB2_1-.Ltmp5, $3  }
0xd6: {  	_ =	sdelay $0x1  }
0xd7: {  	[sflag:s17] =	ssyncset.done $0x0  }
0xd8: {  	[sflag:s17] =	ssyncadd.s32 $0xFFFFFB00  }
0xd9: {  	_ =	sfence.sel $0x180000  }
0xda: {  	[bflag:$0x0] =	sbarrier.arrive $0xFFFF  }
0xdb: {  	_ =	strace $0x90000047  }
0xdc: {  	s0 =	stileid.u32;
	[bflag:$0x2] =	sbarrier.arrive $0xFFFF  }
0xdd: {  	p0 =	sne.s32 s0, $0x0;
	s0 =	rddreg [dreg:$0x3]  }
0xde: {  	s0 =	sadd.s32 @!p0 $0x100000, s0  }
0xdf: {  	[sflag:s0] =	ssyncadd.tile.s32 @!p0 $0x1;
	_ =	shalt  }
.Lfunc_end2:
_tile_overlayer_lowered:
.L_overlay_start_2:
0xe0: {  	(tag) =	ssettag $0x2  }
0xe1: {  	s0 =	rddreg [dreg:$0x0];
	s2 =	stileid.u32  }
0xe2: {  	s1 =	rddreg [dreg:$0x1];
	p0 =	sne.s32 s2, $0x0  }
0xe3: {  	s3 =	rddreg [dreg:$0x2];
	[bflag:$0x3] =	sbarrier.arrive $0xFFFF;
	s2 =	simm.s32 @!p0 $0x1C03  }
0xe4: {  	[timem:s3], [sflag:s2] =	dma.local @!p0 [hbm:s0], s1  }
0xe5: {  	s0 =	simm.s32 @!p0 $0x3  }
0xe6: {  	_ =	swait.ge @!p0 [sflag:s0], s1  }
0xe7: {  	s1 =	ssub.s32 @!p0 $0x0, s1;
	[sflag:s0] =	ssyncset.done @!p0 $0x0  }
0xe8: {  	[sflag:s0] =	ssyncadd.s32 @!p0 s1  }
0xe9: {  	[bflag:$0x3] =	sbarrier.arrive $0xFFFF  }
0xea: {  	_ =	shalt  }

// kernel: sparse-core-data-format-call.cloned.1.call-start
scs
called_computation_lowered:
.L_overlay_start_0:
0x0: {  	s2 =	sld [smem:$0x3FD9]  }
0x1: {  	s3 =	sld [smem:$0x3FFE];
	_ =	sdelay $0x1  }
0x2: {  	s1 =	srdreg.scid  }
0x3: {  	s0 =	sand.u32 $0x1, s1  }
0x4: {  	s15 =	sshll.u32 s0, $0xA;
	s2 =	sadd.s32 s3, s2  }
0x5: {  	s2 =	sadd.s32 s2, s15  }
0x6: {  	[smem:$0x3FC6] =	sst s2  }
0x7: {  	_ = 	snop  }
0x8: {  	s2 =	sld [smem:$0x3FD0];
	_ =	sdelay $0x2  }
0x9: {  	s16 =	simm.s32 $0xA;
	s4 =	simm.s32 $0x10  }
0xa: {  	[smem:s4], [sflag:s16] =	dma.local [hbm:s2], $0x1  }
0xb: {  	_ =	swait.eq [sflag:s16], $0x1  }
0xc: {  	[sflag:s16] =	ssyncset.done $0x0  }
0xd: {  	[sflag:s16] =	ssyncadd.s32 $0xFFFFFFFF  }
0xe: {  	s17 =	sld [smem:$0x10];
	(tm) =	ssettm $0x1  }
0xf: {  	s18 =	sld [smem:$0x3FFB];
	_ =	sdelay $0x3  }
0x10: {  	_ =	strace s18  }
0x11: {  	s3 =	sld [smem:$0x3FFC];
	_ =	sdelay $0x3  }
0x12: {  	_ =	strace s3  }
0x13: {  	s3 =	sld [smem:$0x3FFD];
	_ =	sdelay $0x3  }
0x14: {  	_ =	strace s3  }
0x15: {  	_ =	strace $0x8FFFFFFF  }
0x16: {  	s19 =	sld [smem:$0x3FDB];
	_ =	sdelay $0x1  }
0x17: {  	s20 =	simm.s32 $_scs_section_size  }
0x18: {  	s5 =	simm.s32 $_size__tile_overlayer_lowered;
	s6 =	simm.s32 $_tile_overlayer_lowered  }
0x19: {  	s23 =	simm.s32 $0x1BFF;
	s22 =	sshll.u32 s6, $0x1;
	s3 =	sadd.s32 s20, s19  }
0x1a: {  	s7 =	simm.s32 $0x0;
	s21 =	sshll.u32 s5, $0x1;
	s5 =	sadd.s32 s22, s3  }
0x1b: {  	[timem:s7], [sflag:s23] =	dma.local [hbm:s5], s21  }
0x1c: {  	_ =	swait.ge [sflag:s23], s21  }
0x1d: {  	s4 =	ssub.s32 $0x0, s21;
	[sflag:s23] =	ssyncset.done $0x0  }
0x1e: {  	[sflag:s23] =	ssyncadd.s32 s4;
	_ =	sdelay $0x1  }
0x1f: {  	s24 =	simm.s32 $0x1B8B  }
0x20: {  	_ =	swait.ge [sflag:s24], $0x1  }
0x21: {  	[sflag:s24] =	ssyncset.done $0x0  }
0x22: {  	s26 =	simm.s32 $0x1B8E;
	s25 =	sld [smem:$0x3FFE];
	[sflag:s24] =	ssyncadd.s32 $0xFFFFFFFF  }
0x23: {  	s27 =	simm.s32 $execute0_lowered;
	[smem:$0x3FD2] =	sst s26  }
0x24: {  	s5 =	sshll.u32 s27, $0x1;
	_ =	strace $0x80000049;
	[dreg:$0x1] =	wrdreg $0xFFFFFFFF  }
0x25: {  	s28 =	simm.s32 $_size_execute0_lowered;
	s3 =	sadd.s32 s3, s5;
	[dreg:$0x0] =	wrdreg $0x0  }
0x26: {  	s5 =	sshll.u32 s28, $0x1;
	[dreg:$0x2] =	wrdreg s3  }
0x27: {  	[dreg:$0x3] =	wrdreg s5  }
0x28: {  	[dreg:$0x4] =	wrdreg $0xC0  }
0x29: {  	_ =	task [dreg:s7], $0x5FFFF  }
0x2a: {  	[dreg:$0x1] =	wrdreg $0xFFFFFFFF  }
0x2b: {  	[dreg:$0x0] =	wrdreg $0x60  }
0x2c: {  	[dreg:$0x2] =	wrdreg s25  }
0x2d: {  	[dreg:$0x3] =	wrdreg s17  }
0x2e: {  	[dreg:$0x4] =	wrdreg $0x9  }
0x2f: {  	_ =	task.clear_ibuf [dreg:s7], $0x5FFFF;
	_ =	strace $0x90000049  }
0x30: {  	s29 =	simm.s32 $0x9;
	_ =	strace $0x8000004B  }
0x31: {  	_ =	swait.ge [sflag:s29], $0x1  }
0x32: {  	[sflag:s29] =	ssyncadd.s32 $0xFFFFFFFF  }
0x33: {  	_ =	strace $0x9000004B  }
0x34: {  	_ =	sfence  }
0x35: {  	s30 =	sld [smem:$0x0];
	_ =	sdelay $0x2  }
0x36: {  	s31 =	sshll.u32 s1, $0xD;
	s1 =	sshrl.u32 s1, $0x2  }
0x37: {  	s3 =	sand.u32 $0x4000, s31;
	s1 =	sadd.s32 s1, s30  }
0x38: {  	s0 =	sor.u32 s3, s0;
	s1 =	sshll.u32 s1, $0x11  }
0x39: {  	s0 =	sor.u32 s1, s0  }
0x3a: {  	s0 =	sadd.s32 $0x8F2B, s0  }
0x3b: {  	[sflag:s0] =	ssyncadd.remote.s32 $0x1  }
0x3c: {  	_ =	sfence.sel $0xFFFF  }
0x3d: {  	[dreg:$0x0] =	wrdreg $0xFFFFFFFF;
	(pc) =	sbr.abs _section_cstart, $3  }
0x3e: {  	[dreg:$0x1] =	wrdreg $0xFFFFFFFF  }
0x3f: {  	_ =	task.clear_ibuf [dreg:s7], $0x2FFFF;
	_ =	strace $0x9FFFFFFF  }
0x40: {  	(tm) =	ssettm $0x7FFFFFFF  }
0x41: {  	_ =	shalt  }
tec
execute0_lowered:
.L_overlay_start_1:
0x0: {  	(tag) =	ssettag $0x1  }
0x1: {  	s0 =	srdreg.scid;
	s5 =	rddreg [dreg:$0x0]  }
0x2: {  	s2 =	rddreg [dreg:$0x1];
	s1 =	sshll.u32 s0, $0x4  }
0x3: {  	s9 =	simm.s32 $0x2;
	s0 =	stileid.u32;
	s1 =	sand.u32 $0x10, s1  }
0x4: {  	s15 =	simm.s32 $0x0;
	s11 =	simm.s32 $0x400;
	s4 =	sor.u32 s0, s1  }
0x5: {  	s12 =	simm.s32 $0x8000;
	s16 =	simm.s32 $0x0;
	s3 =	sshll.u32 s4, $0x7  }
0x6: {  	s13 =	simm.s32 $0x0;
	s1 =	rddreg [dreg:$0x2];
	s6 =	ssub.s32 $0x1000, s3  }
0x7: {  	_ =	strace $0x8000004A;
	s8 =	sshll.u32 s4, $0xB;
	s7 =	sand.u32 $0xF80, s6  }
0x8: {  	s4 =	simm.s32 $0x1;
	p0 =	sne.s32 s7, $0x0;
	s7 =	simm.s32 $0x1  }
.Ltmp0:
0x9: {  	s6 =	sshrl.u32 s6, $0xC;
	s7 =	simm.s32 @!p0 $0x0;
	(pc) =	sbr.rel .LBB1_1-.Ltmp0, $4  }
0xa: {  	s14 =	simm.s32 $0x0;
	[sflag:s4] =	ssyncpa.u1 $0x0;
	s6 =	sadd.s32 s7, s6  }
0xb: {  	s10 =	sadd.s32 s8, s5;
	[sflag:s9] =	ssyncpa.u1 $0x0;
	s5 =	smul.u32 $0x32, s6  }
0xc: {  	s8 =	sadd.s32 $0x3A000, s10;
	s9 =	sadd.s32 $0x4A000, s10;
	p0 =	por $0x0, $0x0  }
0xd: {  	s7 =	sadd.s32 $0x2A000, s10;
	s6 =	sadd.s32 $0x1A000, s10;
	s10 =	sor.u32 $0x1, s5  }
.LBB1_7:
0xe: {  	s17 =	sadd.s32 $0x4, s13  }
0xf: {  	p2 =	sgt.s32 s17, $0xC7  }
0x10: {  	s17 =	simm.s32 @p2 $0x0;
	p2 =	sne.s32 s14, s10  }
.Ltmp1:
0x11: {  	p1 =	slt.u32 s14, $0x2;
	(pc) =	sbr.rel @!p2 .LBB1_8-.Ltmp1, $4  }
0x12: {  	s15 =	simm.s32 @!p1 $0x2  }
0x13: {  	s18 =	sadd.s32 $0x1, s14;
	s16 =	smov.u32 s13;
	_ =	swait.ge @!p1 [sflag:s15], $0x4000  }
0x14: {  	p0 =	por !p0, !p0;
	s14 =	smov.u32 s18;
	[sflag:s15] =	ssyncset.done @!p1 $0x0  }
0x15: {  	s13 =	smov.u32 s17;
	[sflag:s15] =	ssyncadd.s32 @!p1 $0xFFFFC000;
	s15 =	smov.u32 s3  }
.LBB1_1:
0x16: {  	p1 =	sge.u32 s14, s5  }
0x17: {  	s17 =	sxor.u32 @!p1 $0xFFFFFFFF, s14  }
0x18: {  	s18 =	sshll.u32 @!p1 s13, $0x10;
	s20 =	simm.s32 @!p1 $0x20;
	s17 =	sshll.u32 @!p1 s17, $0xE  }
0x19: {  	s21 =	simm.s32 @!p1 $0x80;
	s19 =	sadd.s32 @!p1 s18, s6;
	s17 =	sand.u32 @!p1 $0x4000, s17  }
0x1a: {  	[tilespmem:s17], [sflag:$0x1] =	stream.strided.gather @!p1 [hbm4b:s19+s20], $0x1000, s21, s20, $0x38;
	[tilespmem:$0x10100] =	vst v63  }
0x1b: {  	s19 =	sadd.s32 @!p1 s18, s7;
	s22 =	sor.u32 @!p1 $0x1000, s17  }
0x1c: {  	[tilespmem:s22], [sflag:$0x1] =	stream.strided.gather @!p1 [hbm4b:s19+s20], $0x1000, s21, s20, $0x38;
	[tilespmem:$0x10100] =	vst v63  }
0x1d: {  	s19 =	sadd.s32 @!p1 s18, s8;
	s22 =	sor.u32 @!p1 $0x2000, s17  }
0x1e: {  	[tilespmem:s22], [sflag:$0x1] =	stream.strided.gather @!p1 [hbm4b:s19+s20], $0x1000, s21, s20, $0x38;
	[tilespmem:$0x10100] =	vst v63  }
0x1f: {  	s31 =	sadd.s32 $0xFFFFFFFF, s14;
	s18 =	sadd.s32 @!p1 s18, s9;
	s17 =	sor.u32 @!p1 $0x3000, s17  }
0x20: {  	[tilespmem:s17], [sflag:$0x1] =	stream.strided.gather @!p1 [hbm4b:s18+s20], $0x1000, s21, s20, $0x38;
	[tilespmem:$0x10100] =	vst v63  }
0x21: {  	p1 =	sge.u32 s31, s5  }
.Ltmp2:
0x22: {  	_ = 	snop;
	(pc) =	sbr.rel @p1 .LBB1_7-.Ltmp2, $1  }
0x23: {  	_ =	sdelay $0x3  }
0x24: {  	s18 =	simm.s32 $0x1;
	s19 =	sand.u32 $0x1, s14  }
0x25: {  	_ =	swait.ge [sflag:s4], $0x4000;
	s18 =	simm.s32 @!p0 $0x0;
	s20 =	smul.u32 $0x10200, s19  }
0x26: {  	[sflag:s4] =	ssyncset.done $0x0;
	s17 =	smul.u32 $0x10200, s18  }
0x27: {  	s18 =	sshll.u32 s18, $0xE;
	[sflag:s4] =	ssyncadd.s32 $0xFFFFC000  }
0x28: {  	s19 =	sor.u32 $0x10, s18;
	s31 =	sshrl.u32 s20, $0x2;
	s17 =	sshrl.u32 s17, $0x2  }
0x29: {  	s20 =	simm.s32 $0x0;
	s18 =	sor.u32 $0x8000, s31;
	s17 =	sor.u32 $0x8000, s17  }
.LBB1_3:
0x2a: {  	v1 =	vld [tilespmem:s19+$0x0]  }
0x2b: {  	v0 =	vld [tilespmem:s19+$0xFFFFFFF0];
	_ =	sdelay $0x2  }
0x2c: {  	s23 =	sadd.s32 $0x0, s17  }
0x2d: {  	s21 =	simm.s32 $0x4;
	s22 =	sadd.s32 $0x20, s19;
	[tilespmem:s23+$0x810 ss:$0x81] =	vst.msk $0xffff, v1  }
.LBB1_4:
0x2e: {  	v1 =	vld [tilespmem:s22+$0x0];
	p1 =	sne.s32 s21, $0x1FC;
	[tilespmem:s23+$0x0 ss:$0x81] =	vst.msk $0xffff, v0;
	s23 =	smov.u32 s21;
	s21 =	sadd.s32 $0x4, s21  }
.Ltmp3:
0x2f: {  	v0 =	vld [tilespmem:s22+$0xFFFFFFF0];
	(pc) =	sbr.rel @p1 .LBB1_4-.Ltmp3, $4  }
0x30: {  	_ = 	snop  }
0x31: {  	s23 =	sshra.s32 s23, $0x2  }
0x32: {  	s23 =	sadd.s32 s23, s17  }
0x33: {  	s22 =	sadd.s32 $0x20, s22;
	[tilespmem:s23+$0x810 ss:$0x81] =	vst.msk $0xffff, v1  }
0x34: {  	s20 =	sadd.s32 $0x1, s20  }
0x35: {  	p1 =	sne.s32 s20, $0x4  }
.Ltmp4:
0x36: {  	_ = 	snop;
	(pc) =	sbr.rel @p1 .LBB1_3-.Ltmp4, $2  }
0x37: {  	_ =	sdelay $0x2  }
0x38: {  	[tilespmem:s23+$0x0 ss:$0x81] =	vst.msk $0xffff, v0;
	s17 =	sadd.s32 $0x1020, s17;
	s19 =	sadd.s32 $0x1000, s19  }
.Ltmp5:
0x39: {  	(pc) =	sbr.rel .LBB1_7-.Ltmp5, $4  }
0x3a: {  	s16 =	sshll.u32 s16, $0xE  }
0x3b: {  	s16 =	sadd.s32 s2, s16  }
0x3c: {  	s15 =	sadd.s32 s15, s16  }
0x3d: {  	[hbm4b:s15+s11] =	stream.strided.scatter [tilespmem:s18], [sflag:$0x2], $0x4000, s12, s11, $0x20;
	[tilespmem:$0x10100] =	vst v63  }
.LBB1_8:
0x3e: {  	_ =	sfence.sel $0x180000  }
0x3f: {  	s2 =	simm.s32 $0x1;
	[bflag:$0x0] =	sbarrier.arrive $0xFFFF  }
0x40: {  	s31 =	simm.s32 $0x2;
	[sflag:s2] =	ssyncpa.u1 $0x1  }
0x41: {  	[sflag:s31] =	ssyncpa.u1 $0x1  }
0x42: {  	p0 =	sne.s32 s0, $0x0;
	_ =	strace $0x9000004A  }
0x43: {  	s0 =	sadd.s32 @!p0 $0x100000, s1;
	[bflag:$0x2] =	sbarrier.arrive $0xFFFF  }
0x44: {  	[sflag:s0] =	ssyncadd.tile.s32 @!p0 $0x1;
	_ =	shalt  }
.Lfunc_end1:
_tile_overlayer_lowered:
.L_overlay_start_2:
0x45: {  	(tag) =	ssettag $0x2  }
0x46: {  	s0 =	rddreg [dreg:$0x0];
	s2 =	stileid.u32  }
0x47: {  	s1 =	rddreg [dreg:$0x1];
	p0 =	sne.s32 s2, $0x0  }
0x48: {  	s3 =	rddreg [dreg:$0x2];
	[bflag:$0x3] =	sbarrier.arrive $0xFFFF;
	s2 =	simm.s32 @!p0 $0x1C01  }
0x49: {  	[timem:s3], [sflag:s2] =	dma.local @!p0 [hbm:s0], s1  }
0x4a: {  	s0 =	simm.s32 @!p0 $0x1  }
0x4b: {  	_ =	swait.ge @!p0 [sflag:s0], s1  }
0x4c: {  	s1 =	ssub.s32 @!p0 $0x0, s1;
	[sflag:s0] =	ssyncset.done @!p0 $0x0  }
0x4d: {  	[sflag:s0] =	ssyncadd.s32 @!p0 s1  }
0x4e: {  	[bflag:$0x3] =	sbarrier.arrive $0xFFFF  }
0x4f: {  	_ =	shalt  }

</sc_bundles>
